<compile_context>
chip_gen: v7x
topology: tpu7x:2x2x1
jax: 0.10.2.dev20260603
libtpu: 0.0.44.dev20260713+nightly
codegen_flags: <defaults>
</compile_context>

<pallas_src>
import functools

import jax
import jax.numpy as jnp
from jax import lax
from jax.experimental import pallas as pl
from jax.experimental.pallas import tpu as pltpu
from jax.experimental.pallas import tpu_sc as plsc

N = 10000
E = 320000
D = 128
H = 4
DH = 32
ALPHA = 0.05
SLOPE = 0.2
K_POOL = 5000

NW = 32
NPW = 313
NPAD = NW * NPW
CHUNK = 256
EPAD = E + CHUNK + 16


def _seg_kernel(msg_hbm, eid_hbm, dsts_hbm, westart_hbm, out_hbm,
                eidbuf, dstbuf, rowbuf, aggbuf, wbuf, sem):
    wid = lax.axis_index("s") * 2 + lax.axis_index("c")
    nb = wid * NPW

    pltpu.sync_copy(westart_hbm, wbuf)
    wv = wbuf[pl.ds(wid, 16)]
    estart = wv[0]
    eend = wv[1]

    def _zero(i, _):
        aggbuf[pl.ds(i * 16, 16)] = jnp.zeros((16,), jnp.float32)
        return 0
    lax.fori_loop(0, NPW * 8, _zero, 0)

    a0 = (estart // 8) * 8
    nchunks = (eend - a0 + CHUNK - 1) // CHUNK

    def _chunk(k, _):
        cb = a0 + k * CHUNK
        pltpu.sync_copy(eid_hbm.at[pl.ds(cb, CHUNK)], eidbuf)
        pltpu.sync_copy(dsts_hbm.at[pl.ds(cb, CHUNK + 16)], dstbuf)
        pltpu.async_copy(msg_hbm.at[eidbuf], rowbuf, sem).wait()

        def _edge(i, _):
            p = cb + i
            d = dstbuf[pl.ds(i, 16)][0]
            valid = jnp.logical_and(p >= estart, p < eend)
            vm = jnp.where(valid, 1.0, 0.0)
            r = jnp.clip(d - nb, 0, NPW - 1)
            for j in range(8):
                row = rowbuf[i, pl.ds(j * 16, 16)]
                acc = aggbuf[pl.ds(r * 128 + j * 16, 16)]
                aggbuf[pl.ds(r * 128 + j * 16, 16)] = acc + row * vm
            return 0
        lax.fori_loop(0, CHUNK, _edge, 0)
        return 0
    lax.fori_loop(0, nchunks, _chunk, 0)

    pltpu.sync_copy(aggbuf, out_hbm.at[pl.ds(nb * 128, NPW * 128)])


@functools.partial(jax.jit, static_argnums=())
def _sc_segsum(msg, eid_sorted, dst_sorted, westarts):
    mesh = plsc.VectorSubcoreMesh(core_axis_name="c", subcore_axis_name="s")
    f = pl.kernel(
        _seg_kernel,
        mesh=mesh,
        out_type=jax.ShapeDtypeStruct((NPAD * 128,), jnp.float32),
        scratch_types=[
            pltpu.VMEM((CHUNK,), jnp.int32),
            pltpu.VMEM((CHUNK + 16,), jnp.int32),
            pltpu.VMEM((CHUNK, 128), jnp.float32),
            pltpu.VMEM((NPW * 128,), jnp.float32),
            pltpu.VMEM((48,), jnp.int32),
            pltpu.SemaphoreType.DMA,
        ],
    )
    return f(msg, eid_sorted, dst_sorted, westarts)


def kernel(feature, edge_index, angle_h, W, Wr, a_src, a_dst, a_rel, w_score):
    src = edge_index[0]
    dst = edge_index[1]

    h = feature @ W
    rel = angle_h @ Wr

    h3 = h.reshape(N, H, DH)
    rel3 = rel.reshape(E, H, DH)
    el = jnp.sum(h3 * a_src[None, :, :], axis=-1)
    er = jnp.sum(h3 * a_dst[None, :, :], axis=-1)
    ee = jnp.sum(rel3 * a_rel[None, :, :], axis=-1)
    logits = el[src] + er[dst] + ee
    logits = jax.nn.leaky_relu(logits, SLOPE)
    m = jax.ops.segment_max(logits, dst, num_segments=N)
    m = jnp.where(jnp.isfinite(m), m, 0.0)
    ex = jnp.exp(logits - m[dst])
    den = jax.ops.segment_sum(ex, dst, num_segments=N)
    attn = ex / (den[dst] + 1e-16)

    perm = jnp.argsort(dst, stable=True).astype(jnp.int32)
    dst_sorted = dst[perm]
    node_bounds = jnp.arange(0, NW * NPW + 1, NPW, dtype=jnp.int32)
    westarts = jnp.searchsorted(dst_sorted, node_bounds, side="left").astype(jnp.int32)
    westarts = jnp.concatenate([westarts[:NW], jnp.full((1,), E, jnp.int32),
                                jnp.zeros((15,), jnp.int32)])
    eid_pad = jnp.concatenate([perm, jnp.zeros((CHUNK + 16,), jnp.int32)])
    dst_pad = jnp.concatenate([dst_sorted, jnp.zeros((CHUNK + 16,), jnp.int32)])

    deg = jax.ops.segment_sum(jnp.ones((E,), jnp.float32), dst, num_segments=N)

    (attn, deg, eid_pad, dst_pad, westarts, h, rel) = lax.optimization_barrier(
        (attn, deg, eid_pad, dst_pad, westarts, h, rel))

    attn_rep = jnp.repeat(attn, DH, axis=1)
    src2 = src.reshape(E // 8, 8)
    feat = h
    for _ in range(2):
        msg = (jnp.take(feat, src2, axis=0).reshape(E, D) + rel) * attn_rep
        agg_flat = _sc_segsum(msg, eid_pad, dst_pad, westarts)
        agg = agg_flat.reshape(NPAD, D)[:N]
        feat = ALPHA * h + (1.0 - ALPHA) * agg
    out = jax.nn.relu(feat)

    (out, deg) = lax.optimization_barrier((out, deg))

    aggs = jax.ops.segment_sum(out[src], dst, num_segments=N)
    score = (aggs / jnp.maximum(deg, 1.0)[:, None]) @ w_score

    topv, topi = jax.lax.top_k(score, K_POOL)
    out_pool = out[topi] * jnp.tanh(topv)[:, None]

    mask = jnp.zeros((N,), bool).at[topi].set(True)
    newid = jnp.full((N,), -1, jnp.int32).at[topi].set(jnp.arange(K_POOL, dtype=jnp.int32))
    emask = mask[src] & mask[dst]
    new_edge_index = jnp.where(emask[None, :], jnp.stack([newid[src], newid[dst]]), -1)
    angle_out = angle_h * emask[:, None].astype(angle_h.dtype)
    return (new_edge_index, out_pool, angle_out)

# --- scband reference (transcript-rebuilt; emitter-appended) ---
"""Pipeline reference for scband-conv-pool-block-12730283066001 (READ-ONLY COPY).

The authoritative reference and input builder live on the scoring server;
editing this copy changes nothing except your own understanding.
"""

import jax, jax.numpy as jnp
import numpy as np

N = 10000
E = 320000
D = 128
H = 4
DH = D // H
HOPS = 2
ALPHA = 0.05
SLOPE = 0.2
RATIO = 0.5
K_POOL = int(np.ceil(RATIO * N))


def setup_inputs(seed: int = 0) -> dict:
    key = jax.random.key(seed)
    ks = jax.random.split(key, 10)
    feature = jax.random.normal(ks[0], (N, D), dtype=jnp.float32)
    edge_index = jax.random.randint(ks[1], (2, E), 0, N, dtype=jnp.int32)
    angle_h = jax.random.normal(ks[2], (E, D), dtype=jnp.float32)
    s = 1.0 / np.sqrt(D)
    W = jax.random.normal(ks[3], (D, D), dtype=jnp.float32) * s
    Wr = jax.random.normal(ks[4], (D, D), dtype=jnp.float32) * s
    a_src = jax.random.normal(ks[5], (H, DH), dtype=jnp.float32) * s
    a_dst = jax.random.normal(ks[6], (H, DH), dtype=jnp.float32) * s
    a_rel = jax.random.normal(ks[7], (H, DH), dtype=jnp.float32) * s
    w_score = jax.random.normal(ks[8], (D,), dtype=jnp.float32) * s
    return {"feature": feature, "edge_index": edge_index, "angle_h": angle_h,
            "W": W, "Wr": Wr, "a_src": a_src, "a_dst": a_dst, "a_rel": a_rel,
            "w_score": w_score}


def _gnn_conv(feature, angle_h, src, dst, W, Wr, a_src, a_dst, a_rel):
    # relation-aware GAT layer with APPNP-style hop propagation (alpha teleport)
    h = (feature @ W).reshape(N, H, DH)
    rel = (angle_h @ Wr).reshape(E, H, DH)
    el = jnp.sum(h * a_src[None, :, :], axis=-1)   # [N, H]
    er = jnp.sum(h * a_dst[None, :, :], axis=-1)   # [N, H]
    ee = jnp.sum(rel * a_rel[None, :, :], axis=-1)  # [E, H]
    logits = el[src] + er[dst] + ee                 # [E, H]
    logits = jax.nn.leaky_relu(logits, SLOPE)
    m = jax.ops.segment_max(logits, dst, num_segments=N)
    m = jnp.where(jnp.isfinite(m), m, 0.0)
    ex = jnp.exp(logits - m[dst])
    den = jax.ops.segment_sum(ex, dst, num_segments=N)
    attn = ex / (den[dst] + 1e-16)                  # [E, H] edge softmax over dst
    feat = h
    for _ in range(HOPS):
        msg = (feat[src] + rel) * attn[:, :, None]  # [E, H, DH]
        agg = jax.ops.segment_sum(msg, dst, num_segments=N)
        feat = ALPHA * h + (1.0 - ALPHA) * agg
    return feat.reshape(N, D)


def reference(feature, edge_index, angle_h, W, Wr, a_src, a_dst, a_rel, w_score):
    src = edge_index[0]
    dst = edge_index[1]
    out = jax.nn.relu(_gnn_conv(feature, angle_h, src, dst, W, Wr, a_src, a_dst, a_rel))
    # SAGPool: GCN-style mean-aggregated score projection, top-k node selection
    deg = jax.ops.segment_sum(jnp.ones((E,), jnp.float32), dst, num_segments=N)
    agg = jax.ops.segment_sum(out[src], dst, num_segments=N) / jnp.maximum(deg, 1.0)[:, None]
    score = agg @ w_score                           # [N]
    topv, topi = jax.lax.top_k(score, K_POOL)
    out_pool = out[topi] * jnp.tanh(topv)[:, None]  # [K_POOL, D]
    # static-shape induced subgraph: remap kept nodes, mask dropped edges with -1
    mask = jnp.zeros((N,), bool).at[topi].set(True)
    newid = jnp.full((N,), -1, jnp.int32).at[topi].set(jnp.arange(K_POOL, dtype=jnp.int32))
    emask = mask[src] & mask[dst]
    new_edge_index = jnp.where(emask[None, :], jnp.stack([newid[src], newid[dst]]), -1)
    angle_out = angle_h * emask[:, None].astype(angle_h.dtype)
    return (new_edge_index, out_pool, angle_out)

if __name__ == "__main__":
    import jax
    _d = setup_inputs()
    print(jax.jit(kernel)(*tuple(_d.values())))

</pallas_src>

<mosaic_0001>
#map = affine_map<(d0, d1) -> (0, 0)>
#map1 = affine_map<(d0, d1) -> (0)>
module attributes {stable_mosaic.version = 14 : i64} {
  func.func @_seg_kernel(%arg0: i32, %arg1: i32, %arg2: memref<320000x128xf32, #tpu.memory_space<hbm>>, %arg3: memref<320272xi32, #tpu.memory_space<hbm>>, %arg4: memref<320272xi32, #tpu.memory_space<hbm>>, %arg5: memref<48xi32, #tpu.memory_space<hbm>>, %arg6: memref<1282048xf32, #tpu.memory_space<hbm>>, %arg7: memref<256xi32, #tpu.memory_space<vmem>>, %arg8: memref<272xi32, #tpu.memory_space<vmem>>, %arg9: memref<256x128xf32, #tpu.memory_space<vmem>>, %arg10: memref<40064xf32, #tpu.memory_space<vmem>>, %arg11: memref<48xi32, #tpu.memory_space<vmem>>, %arg12: memref<!tpu.dma_semaphore, #tpu.memory_space<semaphore_mem>>) attributes {dimension_semantics = [#tpu.dimension_semantics<core_parallel>, #tpu.dimension_semantics<subcore_parallel>], iteration_bounds = array<i64: 2, 16>, scalar_prefetch = 0 : i64, scratch_operands = 6 : i64, tpu.core_type = #tpu.core_type<sc_vector_subcore>, window_params = [{transform_indices = #map}, {transform_indices = #map1}, {transform_indices = #map1}, {transform_indices = #map1}, {transform_indices = #map1}]} {
    %mul3A = arith.constant 2 : i32
    %mul3A_0 = arith.muli %arg1, %mul3A : i32
    %add3A = arith.addi %mul3A_0, %arg0 : i32
    %mul3A_1 = arith.constant 313 : i32
    %mul3A_2 = arith.muli %add3A, %mul3A_1 : i32
    "tpu.region"() ({
      %run_scoped3A = tpu.sem_alloc : memref<!tpu.dma_semaphore, #tpu.memory_space<semaphore_mem>>
      tpu.enqueue_dma source(%arg5 : memref<48xi32, #tpu.memory_space<hbm>>) target(%arg11 : memref<48xi32, #tpu.memory_space<vmem>>) target_semaphore(%run_scoped3A : memref<!tpu.dma_semaphore, #tpu.memory_space<semaphore_mem>>)
      tpu.wait_dma2 semaphore(%run_scoped3A : memref<!tpu.dma_semaphore, #tpu.memory_space<semaphore_mem>>) src(%arg5 : memref<48xi32, #tpu.memory_space<hbm>>) dst(%arg11 : memref<48xi32, #tpu.memory_space<vmem>>)
      tpu.yield
    }) : () -> ()
    %get3A = arith.index_cast %add3A : i32 to index
    %get3A_3 = tpu.vector_load %arg11[%get3A] {strides = array<i32>} : memref<48xi32, #tpu.memory_space<vmem>>, vector<16xi32>,
    %get3A_4 = vector.shape_cast %get3A_3 : vector<16xi32> to vector<16xi32>
    %slice3A = vector.extract_strided_slice %get3A_4 {offsets = [0], sizes = [1], strides = [1]} : vector<16xi32> to vector<1xi32>
    %squeeze3A = vector.extract %slice3A[0] : i32 from vector<1xi32>
    %slice3A_5 = vector.extract_strided_slice %get3A_4 {offsets = [1], sizes = [1], strides = [1]} : vector<16xi32> to vector<1xi32>
    %squeeze3A_6 = vector.extract %slice3A_5[0] : i32 from vector<1xi32>
    %scan3A = arith.constant 0 : i32
    %scan3A_7 = arith.constant 0 : i32
    %scan3A_8 = arith.constant 2504 : i32
    %scan3A_9 = arith.addi %scan3A_7, %scan3A_8 : i32
    %scan3A_10 = arith.constant 1 : i32
    %scan3A_11 = scf.for %scan3A_73 = %scan3A_7 to %scan3A_9 step %scan3A_10 iter_args(%scan3A_74 = %scan3A) -> (i32)  : i32 {
      %broadcast_in_dim3A = arith.constant 0.000000e+00 : f32
      %broadcast_in_dim3A_75 = vector.broadcast %broadcast_in_dim3A : f32 to vector<16xf32>
      %mul3A_76 = arith.constant 16 : i32
      %mul3A_77 = arith.muli %scan3A_73, %mul3A_76 : i32
      %swap3A = arith.index_cast %mul3A_77 : i32 to index
      %swap3A_78 = tpu.vector_load %arg10[%swap3A] {strides = array<i32>} : memref<40064xf32, #tpu.memory_space<vmem>>, vector<16xf32>,
      %swap3A_79 = vector.shape_cast %swap3A_78 : vector<16xf32> to vector<16xf32>
      %swap3A_80 = vector.shape_cast %broadcast_in_dim3A_75 : vector<16xf32> to vector<16xf32>
      tpu.vector_store %arg10[%swap3A], %swap3A_80 {strides = array<i32>} : memref<40064xf32, #tpu.memory_space<vmem>>, vector<16xf32>,
      %scan3A_81 = arith.constant 0 : i32
      scf.yield %scan3A_81 : i32
    }
    %scan3A_12 = arith.constant 2504 : i32
    %jit3A = arith.constant 8 : i32
    %div3A = arith.divsi %squeeze3A, %jit3A : i32
    %sign3A = arith.constant 0 : i32
    %sign3A_13 = arith.cmpi sgt, %squeeze3A, %sign3A : i32
    %sign3A_14 = arith.extui %sign3A_13 : i1 to i32
    %sign3A_15 = arith.constant 0 : i32
    %sign3A_16 = arith.cmpi slt, %squeeze3A, %sign3A_15 : i32
    %sign3A_17 = arith.extui %sign3A_16 : i1 to i32
    %sign3A_18 = arith.subi %sign3A_14, %sign3A_17 : i32
    %sign3A_19 = arith.constant 0 : i32
    %sign3A_20 = arith.cmpi sgt, %jit3A, %sign3A_19 : i32
    %sign3A_21 = arith.extui %sign3A_20 : i1 to i32
    %sign3A_22 = arith.constant 0 : i32
    %sign3A_23 = arith.cmpi slt, %jit3A, %sign3A_22 : i32
    %sign3A_24 = arith.extui %sign3A_23 : i1 to i32
    %sign3A_25 = arith.subi %sign3A_21, %sign3A_24 : i32
    %ne3A = arith.cmpi ne, %sign3A_18, %sign3A_25 : i32
    %rem3A = arith.remsi %squeeze3A, %jit3A : i32
    %ne3A_26 = arith.constant 0 : i32
    %ne3A_27 = arith.cmpi ne, %rem3A, %ne3A_26 : i32
    %and3A = arith.andi %ne3A, %ne3A_27 : i1
    %sub3A = arith.constant 1 : i32
    %sub3A_28 = arith.subi %div3A, %sub3A : i32
    %select_n3A = arith.select %and3A, %sub3A_28, %div3A : i32
    %mul3A_29 = arith.constant 8 : i32
    %mul3A_30 = arith.muli %select_n3A, %mul3A_29 : i32
    %sub3A_31 = arith.subi %squeeze3A_6, %mul3A_30 : i32
    %add3A_32 = arith.constant 256 : i32
    %add3A_33 = arith.addi %sub3A_31, %add3A_32 : i32
    %sub3A_34 = arith.constant 1 : i32
    %sub3A_35 = arith.subi %add3A_33, %sub3A_34 : i32
    %jit3A_36 = arith.constant 256 : i32
    %div3A_37 = arith.divsi %sub3A_35, %jit3A_36 : i32
    %sign3A_38 = arith.constant 0 : i32
    %sign3A_39 = arith.cmpi sgt, %sub3A_35, %sign3A_38 : i32
    %sign3A_40 = arith.extui %sign3A_39 : i1 to i32
    %sign3A_41 = arith.constant 0 : i32
    %sign3A_42 = arith.cmpi slt, %sub3A_35, %sign3A_41 : i32
    %sign3A_43 = arith.extui %sign3A_42 : i1 to i32
    %sign3A_44 = arith.subi %sign3A_40, %sign3A_43 : i32
    %sign3A_45 = arith.constant 0 : i32
    %sign3A_46 = arith.cmpi sgt, %jit3A_36, %sign3A_45 : i32
    %sign3A_47 = arith.extui %sign3A_46 : i1 to i32
    %sign3A_48 = arith.constant 0 : i32
    %sign3A_49 = arith.cmpi slt, %jit3A_36, %sign3A_48 : i32
    %sign3A_50 = arith.extui %sign3A_49 : i1 to i32
    %sign3A_51 = arith.subi %sign3A_47, %sign3A_50 : i32
    %ne3A_52 = arith.cmpi ne, %sign3A_44, %sign3A_51 : i32
    %rem3A_53 = arith.remsi %sub3A_35, %jit3A_36 : i32
    %ne3A_54 = arith.constant 0 : i32
    %ne3A_55 = arith.cmpi ne, %rem3A_53, %ne3A_54 : i32
    %and3A_56 = arith.andi %ne3A_52, %ne3A_55 : i1
    %sub3A_57 = arith.constant 1 : i32
    %sub3A_58 = arith.subi %div3A_37, %sub3A_57 : i32
    %select_n3A_59 = arith.select %and3A_56, %sub3A_58, %div3A_37 : i32
    %while3A = arith.constant 0 : i32
    %while3A_60 = arith.constant 0 : i32
    %while3A_61 = arith.subi %select_n3A_59, %while3A : i32
    %while3A_62 = arith.addi %while3A, %while3A_61 : i32
    %while3A_63 = arith.constant 1 : i32
    %while3A_64 = arith.divsi %while3A_61, %while3A_63 : i32
    %while3A_65 = arith.muli %while3A_64, %while3A_63 : i32
    %while3A_66 = arith.addi %while3A, %while3A_65 : i32
    %while3A_67 = arith.constant 1 : i32
    %while3A_68 = scf.for %while3A_73 = %while3A to %while3A_66 step %while3A_67 iter_args(%while3A_74 = %while3A_60) -> (i32)  : i32 {
      %mul3A_75 = arith.constant 256 : i32
      %mul3A_76 = arith.muli %while3A_73, %mul3A_75 : i32
      %add3A_77 = arith.addi %mul3A_30, %mul3A_76 : i32
      "tpu.region"() ({
        %run_scoped3A = tpu.sem_alloc : memref<!tpu.dma_semaphore, #tpu.memory_space<semaphore_mem>>
        %dma_start3A_90 = tpu.memref_slice %arg3[%add3A_77] : memref<320272xi32, #tpu.memory_space<hbm>> -> memref<256xi32, #tpu.memory_space<hbm>>
        %dma_start3A_91 = tpu.memref_slice %arg3[%add3A_77] : memref<320272xi32, #tpu.memory_space<hbm>> -> memref<256xi32, #tpu.memory_space<hbm>>
        tpu.enqueue_dma source(%dma_start3A_91 : memref<256xi32, #tpu.memory_space<hbm>>) target(%arg7 : memref<256xi32, #tpu.memory_space<vmem>>) target_semaphore(%run_scoped3A : memref<!tpu.dma_semaphore, #tpu.memory_space<semaphore_mem>>)
        %dma_wait3A_92 = tpu.memref_slice %arg3[%add3A_77] : memref<320272xi32, #tpu.memory_space<hbm>> -> memref<256xi32, #tpu.memory_space<hbm>>
        %dma_wait3A_93 = tpu.memref_slice %arg3[%add3A_77] : memref<320272xi32, #tpu.memory_space<hbm>> -> memref<256xi32, #tpu.memory_space<hbm>>
        tpu.wait_dma2 semaphore(%run_scoped3A : memref<!tpu.dma_semaphore, #tpu.memory_space<semaphore_mem>>) src(%dma_wait3A_93 : memref<256xi32, #tpu.memory_space<hbm>>) dst(%arg7 : memref<256xi32, #tpu.memory_space<vmem>>)
        tpu.yield
      }) : () -> ()
      "tpu.region"() ({
        %run_scoped3A = tpu.sem_alloc : memref<!tpu.dma_semaphore, #tpu.memory_space<semaphore_mem>>
        %dma_start3A_90 = tpu.memref_slice %arg4[%add3A_77] : memref<320272xi32, #tpu.memory_space<hbm>> -> memref<272xi32, #tpu.memory_space<hbm>>
        %dma_start3A_91 = tpu.memref_slice %arg4[%add3A_77] : memref<320272xi32, #tpu.memory_space<hbm>> -> memref<272xi32, #tpu.memory_space<hbm>>
        tpu.enqueue_dma source(%dma_start3A_91 : memref<272xi32, #tpu.memory_space<hbm>>) target(%arg8 : memref<272xi32, #tpu.memory_space<vmem>>) target_semaphore(%run_scoped3A : memref<!tpu.dma_semaphore, #tpu.memory_space<semaphore_mem>>)
        %dma_wait3A_92 = tpu.memref_slice %arg4[%add3A_77] : memref<320272xi32, #tpu.memory_space<hbm>> -> memref<272xi32, #tpu.memory_space<hbm>>
        %dma_wait3A_93 = tpu.memref_slice %arg4[%add3A_77] : memref<320272xi32, #tpu.memory_space<hbm>> -> memref<272xi32, #tpu.memory_space<hbm>>
        tpu.wait_dma2 semaphore(%run_scoped3A : memref<!tpu.dma_semaphore, #tpu.memory_space<semaphore_mem>>) src(%dma_wait3A_93 : memref<272xi32, #tpu.memory_space<hbm>>) dst(%arg8 : memref<272xi32, #tpu.memory_space<vmem>>)
        tpu.yield
      }) : () -> ()
      %dma_start3A = arith.constant 0 : i32
      %dma_start3A_78 = arith.constant 0 : i32
      %dma_start3A_79 = tpu.memref_slice %arg2[%dma_start3A, %dma_start3A_78] : memref<320000x128xf32, #tpu.memory_space<hbm>> -> memref<320000x128xf32, #tpu.memory_space<hbm>>
      tpu.enqueue_indirect_dma source(%dma_start3A_79 : memref<320000x128xf32, #tpu.memory_space<hbm>>) target(%arg9 : memref<256x128xf32, #tpu.memory_space<vmem>>) offsets(%arg7 : memref<256xi32, #tpu.memory_space<vmem>>) semaphore(%arg12 : memref<!tpu.dma_semaphore, #tpu.memory_space<semaphore_mem>>)
      %dma_wait3A = arith.constant 0 : i32
      %dma_wait3A_80 = arith.constant 0 : i32
      %dma_wait3A_81 = tpu.memref_slice %arg2[%dma_wait3A, %dma_wait3A_80] : memref<320000x128xf32, #tpu.memory_space<hbm>> -> memref<320000x128xf32, #tpu.memory_space<hbm>>
      tpu.wait_indirect_dma semaphore(%arg12 : memref<!tpu.dma_semaphore, #tpu.memory_space<semaphore_mem>>) src(%dma_wait3A_81 : memref<320000x128xf32, #tpu.memory_space<hbm>>) dst(%arg9 : memref<256x128xf32, #tpu.memory_space<vmem>>)
      %scan3A_82 = arith.constant 0 : i32
      %scan3A_83 = arith.constant 0 : i32
      %scan3A_84 = arith.constant 256 : i32
      %scan3A_85 = arith.addi %scan3A_83, %scan3A_84 : i32
      %scan3A_86 = arith.constant 1 : i32
      %scan3A_87 = scf.for %scan3A_90 = %scan3A_83 to %scan3A_85 step %scan3A_86 iter_args(%scan3A_91 = %scan3A_82) -> (i32)  : i32 {
        %add3A_92 = arith.addi %add3A_77, %scan3A_90 : i32
        %get3A_93 = arith.index_cast %scan3A_90 : i32 to index
        %get3A_94 = tpu.vector_load %arg8[%get3A_93] {strides = array<i32>} : memref<272xi32, #tpu.memory_space<vmem>>, vector<16xi32>,
        %get3A_95 = vector.shape_cast %get3A_94 : vector<16xi32> to vector<16xi32>
        %slice3A_96 = vector.extract_strided_slice %get3A_95 {offsets = [0], sizes = [1], strides = [1]} : vector<16xi32> to vector<1xi32>
        %squeeze3A_97 = vector.extract %slice3A_96[0] : i32 from vector<1xi32>
        %ge3A = arith.cmpi sge, %add3A_92, %squeeze3A : i32
        %lt3A = arith.cmpi slt, %add3A_92, %squeeze3A_6 : i32
        %and3A_98 = arith.andi %ge3A, %lt3A : i1
        %jit3A_99 = arith.constant 1.000000e+00 : f32
        %jit3A_100 = arith.constant 0.000000e+00 : f32
        %select_n3A_101 = arith.select %and3A_98, %jit3A_99, %jit3A_100 : f32
        %sub3A_102 = arith.subi %squeeze3A_97, %mul3A_2 : i32
        %jit3A_103 = arith.constant 0 : i32
        %jit3A_104 = arith.constant 312 : i32
        %max3A = arith.maxsi %jit3A_103, %sub3A_102 : i32
        %min3A = arith.minsi %jit3A_104, %max3A : i32
        %get3A_105 = arith.index_cast %scan3A_90 : i32 to index
        %get3A_106 = arith.constant 0 : index
        %get3A_107 = tpu.vector_load %arg9[%get3A_105, %get3A_106] {strides = array<i32>} : memref<256x128xf32, #tpu.memory_space<vmem>>, vector<1x16xf32>,
        %get3A_108 = vector.shape_cast %get3A_107 : vector<1x16xf32> to vector<16xf32>
        %mul3A_109 = arith.constant 128 : i32
        %mul3A_110 = arith.muli %min3A, %mul3A_109 : i32
        %add3A_111 = arith.constant 0 : i32
        %add3A_112 = arith.addi %mul3A_110, %add3A_111 : i32
        %get3A_113 = arith.index_cast %add3A_112 : i32 to index
        %get3A_114 = tpu.vector_load %arg10[%get3A_113] {strides = array<i32>} : memref<40064xf32, #tpu.memory_space<vmem>>, vector<16xf32>,
        %get3A_115 = vector.shape_cast %get3A_114 : vector<16xf32> to vector<16xf32>
        %mul3A_116 = vector.broadcast %select_n3A_101 : f32 to vector<16xf32>
        %mul3A_117 = arith.mulf %get3A_108, %mul3A_116 : vector<16xf32>
        %add3A_118 = arith.addf %get3A_115, %mul3A_117 : vector<16xf32>
        %mul3A_119 = arith.constant 128 : i32
        %mul3A_120 = arith.muli %min3A, %mul3A_119 : i32
        %add3A_121 = arith.constant 0 : i32
        %add3A_122 = arith.addi %mul3A_120, %add3A_121 : i32
        %swap3A = arith.index_cast %add3A_122 : i32 to index
        %swap3A_123 = tpu.vector_load %arg10[%swap3A] {strides = array<i32>} : memref<40064xf32, #tpu.memory_space<vmem>>, vector<16xf32>,
        %swap3A_124 = vector.shape_cast %swap3A_123 : vector<16xf32> to vector<16xf32>
        %swap3A_125 = vector.shape_cast %add3A_118 : vector<16xf32> to vector<16xf32>
        tpu.vector_store %arg10[%swap3A], %swap3A_125 {strides = array<i32>} : memref<40064xf32, #tpu.memory_space<vmem>>, vector<16xf32>,
        %get3A_126 = arith.index_cast %scan3A_90 : i32 to index
        %get3A_127 = arith.constant 16 : index
        %get3A_128 = tpu.vector_load %arg9[%get3A_126, %get3A_127] {strides = array<i32>} : memref<256x128xf32, #tpu.memory_space<vmem>>, vector<1x16xf32>,
        %get3A_129 = vector.shape_cast %get3A_128 : vector<1x16xf32> to vector<16xf32>
        %mul3A_130 = arith.constant 128 : i32
        %mul3A_131 = arith.muli %min3A, %mul3A_130 : i32
        %add3A_132 = arith.constant 16 : i32
        %add3A_133 = arith.addi %mul3A_131, %add3A_132 : i32
        %get3A_134 = arith.index_cast %add3A_133 : i32 to index
        %get3A_135 = tpu.vector_load %arg10[%get3A_134] {strides = array<i32>} : memref<40064xf32, #tpu.memory_space<vmem>>, vector<16xf32>,
        %get3A_136 = vector.shape_cast %get3A_135 : vector<16xf32> to vector<16xf32>
        %mul3A_137 = vector.broadcast %select_n3A_101 : f32 to vector<16xf32>
        %mul3A_138 = arith.mulf %get3A_129, %mul3A_137 : vector<16xf32>
        %add3A_139 = arith.addf %get3A_136, %mul3A_138 : vector<16xf32>
        %mul3A_140 = arith.constant 128 : i32
        %mul3A_141 = arith.muli %min3A, %mul3A_140 : i32
        %add3A_142 = arith.constant 16 : i32
        %add3A_143 = arith.addi %mul3A_141, %add3A_142 : i32
        %swap3A_144 = arith.index_cast %add3A_143 : i32 to index
        %swap3A_145 = tpu.vector_load %arg10[%swap3A_144] {strides = array<i32>} : memref<40064xf32, #tpu.memory_space<vmem>>, vector<16xf32>,
        %swap3A_146 = vector.shape_cast %swap3A_145 : vector<16xf32> to vector<16xf32>
        %swap3A_147 = vector.shape_cast %add3A_139 : vector<16xf32> to vector<16xf32>
        tpu.vector_store %arg10[%swap3A_144], %swap3A_147 {strides = array<i32>} : memref<40064xf32, #tpu.memory_space<vmem>>, vector<16xf32>,
        %get3A_148 = arith.index_cast %scan3A_90 : i32 to index
        %get3A_149 = arith.constant 32 : index
        %get3A_150 = tpu.vector_load %arg9[%get3A_148, %get3A_149] {strides = array<i32>} : memref<256x128xf32, #tpu.memory_space<vmem>>, vector<1x16xf32>,
        %get3A_151 = vector.shape_cast %get3A_150 : vector<1x16xf32> to vector<16xf32>
        %mul3A_152 = arith.constant 128 : i32
        %mul3A_153 = arith.muli %min3A, %mul3A_152 : i32
        %add3A_154 = arith.constant 32 : i32
        %add3A_155 = arith.addi %mul3A_153, %add3A_154 : i32
        %get3A_156 = arith.index_cast %add3A_155 : i32 to index
        %get3A_157 = tpu.vector_load %arg10[%get3A_156] {strides = array<i32>} : memref<40064xf32, #tpu.memory_space<vmem>>, vector<16xf32>,
        %get3A_158 = vector.shape_cast %get3A_157 : vector<16xf32> to vector<16xf32>
        %mul3A_159 = vector.broadcast %select_n3A_101 : f32 to vector<16xf32>
        %mul3A_160 = arith.mulf %get3A_151, %mul3A_159 : vector<16xf32>
        %add3A_161 = arith.addf %get3A_158, %mul3A_160 : vector<16xf32>
        %mul3A_162 = arith.constant 128 : i32
        %mul3A_163 = arith.muli %min3A, %mul3A_162 : i32
        %add3A_164 = arith.constant 32 : i32
        %add3A_165 = arith.addi %mul3A_163, %add3A_164 : i32
        %swap3A_166 = arith.index_cast %add3A_165 : i32 to index
        %swap3A_167 = tpu.vector_load %arg10[%swap3A_166] {strides = array<i32>} : memref<40064xf32, #tpu.memory_space<vmem>>, vector<16xf32>,
        %swap3A_168 = vector.shape_cast %swap3A_167 : vector<16xf32> to vector<16xf32>
        %swap3A_169 = vector.shape_cast %add3A_161 : vector<16xf32> to vector<16xf32>
        tpu.vector_store %arg10[%swap3A_166], %swap3A_169 {strides = array<i32>} : memref<40064xf32, #tpu.memory_space<vmem>>, vector<16xf32>,
        %get3A_170 = arith.index_cast %scan3A_90 : i32 to index
        %get3A_171 = arith.constant 48 : index
        %get3A_172 = tpu.vector_load %arg9[%get3A_170, %get3A_171] {strides = array<i32>} : memref<256x128xf32, #tpu.memory_space<vmem>>, vector<1x16xf32>,
        %get3A_173 = vector.shape_cast %get3A_172 : vector<1x16xf32> to vector<16xf32>
        %mul3A_174 = arith.constant 128 : i32
        %mul3A_175 = arith.muli %min3A, %mul3A_174 : i32
        %add3A_176 = arith.constant 48 : i32
        %add3A_177 = arith.addi %mul3A_175, %add3A_176 : i32
        %get3A_178 = arith.index_cast %add3A_177 : i32 to index
        %get3A_179 = tpu.vector_load %arg10[%get3A_178] {strides = array<i32>} : memref<40064xf32, #tpu.memory_space<vmem>>, vector<16xf32>,
        %get3A_180 = vector.shape_cast %get3A_179 : vector<16xf32> to vector<16xf32>
        %mul3A_181 = vector.broadcast %select_n3A_101 : f32 to vector<16xf32>
        %mul3A_182 = arith.mulf %get3A_173, %mul3A_181 : vector<16xf32>
        %add3A_183 = arith.addf %get3A_180, %mul3A_182 : vector<16xf32>
        %mul3A_184 = arith.constant 128 : i32
        %mul3A_185 = arith.muli %min3A, %mul3A_184 : i32
        %add3A_186 = arith.constant 48 : i32
        %add3A_187 = arith.addi %mul3A_185, %add3A_186 : i32
        %swap3A_188 = arith.index_cast %add3A_187 : i32 to index
        %swap3A_189 = tpu.vector_load %arg10[%swap3A_188] {strides = array<i32>} : memref<40064xf32, #tpu.memory_space<vmem>>, vector<16xf32>,
        %swap3A_190 = vector.shape_cast %swap3A_189 : vector<16xf32> to vector<16xf32>
        %swap3A_191 = vector.shape_cast %add3A_183 : vector<16xf32> to vector<16xf32>
        tpu.vector_store %arg10[%swap3A_188], %swap3A_191 {strides = array<i32>} : memref<40064xf32, #tpu.memory_space<vmem>>, vector<16xf32>,
        %get3A_192 = arith.index_cast %scan3A_90 : i32 to index
        %get3A_193 = arith.constant 64 : index
        %get3A_194 = tpu.vector_load %arg9[%get3A_192, %get3A_193] {strides = array<i32>} : memref<256x128xf32, #tpu.memory_space<vmem>>, vector<1x16xf32>,
        %get3A_195 = vector.shape_cast %get3A_194 : vector<1x16xf32> to vector<16xf32>
        %mul3A_196 = arith.constant 128 : i32
        %mul3A_197 = arith.muli %min3A, %mul3A_196 : i32
        %add3A_198 = arith.constant 64 : i32
        %add3A_199 = arith.addi %mul3A_197, %add3A_198 : i32
        %get3A_200 = arith.index_cast %add3A_199 : i32 to index
        %get3A_201 = tpu.vector_load %arg10[%get3A_200] {strides = array<i32>} : memref<40064xf32, #tpu.memory_space<vmem>>, vector<16xf32>,
        %get3A_202 = vector.shape_cast %get3A_201 : vector<16xf32> to vector<16xf32>
        %mul3A_203 = vector.broadcast %select_n3A_101 : f32 to vector<16xf32>
        %mul3A_204 = arith.mulf %get3A_195, %mul3A_203 : vector<16xf32>
        %add3A_205 = arith.addf %get3A_202, %mul3A_204 : vector<16xf32>
        %mul3A_206 = arith.constant 128 : i32
        %mul3A_207 = arith.muli %min3A, %mul3A_206 : i32
        %add3A_208 = arith.constant 64 : i32
        %add3A_209 = arith.addi %mul3A_207, %add3A_208 : i32
        %swap3A_210 = arith.index_cast %add3A_209 : i32 to index
        %swap3A_211 = tpu.vector_load %arg10[%swap3A_210] {strides = array<i32>} : memref<40064xf32, #tpu.memory_space<vmem>>, vector<16xf32>,
        %swap3A_212 = vector.shape_cast %swap3A_211 : vector<16xf32> to vector<16xf32>
        %swap3A_213 = vector.shape_cast %add3A_205 : vector<16xf32> to vector<16xf32>
        tpu.vector_store %arg10[%swap3A_210], %swap3A_213 {strides = array<i32>} : memref<40064xf32, #tpu.memory_space<vmem>>, vector<16xf32>,
        %get3A_214 = arith.index_cast %scan3A_90 : i32 to index
        %get3A_215 = arith.constant 80 : index
        %get3A_216 = tpu.vector_load %arg9[%get3A_214, %get3A_215] {strides = array<i32>} : memref<256x128xf32, #tpu.memory_space<vmem>>, vector<1x16xf32>,
        %get3A_217 = vector.shape_cast %get3A_216 : vector<1x16xf32> to vector<16xf32>
        %mul3A_218 = arith.constant 128 : i32
        %mul3A_219 = arith.muli %min3A, %mul3A_218 : i32
        %add3A_220 = arith.constant 80 : i32
        %add3A_221 = arith.addi %mul3A_219, %add3A_220 : i32
        %get3A_222 = arith.index_cast %add3A_221 : i32 to index
        %get3A_223 = tpu.vector_load %arg10[%get3A_222] {strides = array<i32>} : memref<40064xf32, #tpu.memory_space<vmem>>, vector<16xf32>,
        %get3A_224 = vector.shape_cast %get3A_223 : vector<16xf32> to vector<16xf32>
        %mul3A_225 = vector.broadcast %select_n3A_101 : f32 to vector<16xf32>
        %mul3A_226 = arith.mulf %get3A_217, %mul3A_225 : vector<16xf32>
        %add3A_227 = arith.addf %get3A_224, %mul3A_226 : vector<16xf32>
        %mul3A_228 = arith.constant 128 : i32
        %mul3A_229 = arith.muli %min3A, %mul3A_228 : i32
        %add3A_230 = arith.constant 80 : i32
        %add3A_231 = arith.addi %mul3A_229, %add3A_230 : i32
        %swap3A_232 = arith.index_cast %add3A_231 : i32 to index
        %swap3A_233 = tpu.vector_load %arg10[%swap3A_232] {strides = array<i32>} : memref<40064xf32, #tpu.memory_space<vmem>>, vector<16xf32>,
        %swap3A_234 = vector.shape_cast %swap3A_233 : vector<16xf32> to vector<16xf32>
        %swap3A_235 = vector.shape_cast %add3A_227 : vector<16xf32> to vector<16xf32>
        tpu.vector_store %arg10[%swap3A_232], %swap3A_235 {strides = array<i32>} : memref<40064xf32, #tpu.memory_space<vmem>>, vector<16xf32>,
        %get3A_236 = arith.index_cast %scan3A_90 : i32 to index
        %get3A_237 = arith.constant 96 : index
        %get3A_238 = tpu.vector_load %arg9[%get3A_236, %get3A_237] {strides = array<i32>} : memref<256x128xf32, #tpu.memory_space<vmem>>, vector<1x16xf32>,
        %get3A_239 = vector.shape_cast %get3A_238 : vector<1x16xf32> to vector<16xf32>
        %mul3A_240 = arith.constant 128 : i32
        %mul3A_241 = arith.muli %min3A, %mul3A_240 : i32
        %add3A_242 = arith.constant 96 : i32
        %add3A_243 = arith.addi %mul3A_241, %add3A_242 : i32
        %get3A_244 = arith.index_cast %add3A_243 : i32 to index
        %get3A_245 = tpu.vector_load %arg10[%get3A_244] {strides = array<i32>} : memref<40064xf32, #tpu.memory_space<vmem>>, vector<16xf32>,
        %get3A_246 = vector.shape_cast %get3A_245 : vector<16xf32> to vector<16xf32>
        %mul3A_247 = vector.broadcast %select_n3A_101 : f32 to vector<16xf32>
        %mul3A_248 = arith.mulf %get3A_239, %mul3A_247 : vector<16xf32>
        %add3A_249 = arith.addf %get3A_246, %mul3A_248 : vector<16xf32>
        %mul3A_250 = arith.constant 128 : i32
        %mul3A_251 = arith.muli %min3A, %mul3A_250 : i32
        %add3A_252 = arith.constant 96 : i32
        %add3A_253 = arith.addi %mul3A_251, %add3A_252 : i32
        %swap3A_254 = arith.index_cast %add3A_253 : i32 to index
        %swap3A_255 = tpu.vector_load %arg10[%swap3A_254] {strides = array<i32>} : memref<40064xf32, #tpu.memory_space<vmem>>, vector<16xf32>,
        %swap3A_256 = vector.shape_cast %swap3A_255 : vector<16xf32> to vector<16xf32>
        %swap3A_257 = vector.shape_cast %add3A_249 : vector<16xf32> to vector<16xf32>
        tpu.vector_store %arg10[%swap3A_254], %swap3A_257 {strides = array<i32>} : memref<40064xf32, #tpu.memory_space<vmem>>, vector<16xf32>,
        %get3A_258 = arith.index_cast %scan3A_90 : i32 to index
        %get3A_259 = arith.constant 112 : index
        %get3A_260 = tpu.vector_load %arg9[%get3A_258, %get3A_259] {strides = array<i32>} : memref<256x128xf32, #tpu.memory_space<vmem>>, vector<1x16xf32>,
        %get3A_261 = vector.shape_cast %get3A_260 : vector<1x16xf32> to vector<16xf32>
        %mul3A_262 = arith.constant 128 : i32
        %mul3A_263 = arith.muli %min3A, %mul3A_262 : i32
        %add3A_264 = arith.constant 112 : i32
        %add3A_265 = arith.addi %mul3A_263, %add3A_264 : i32
        %get3A_266 = arith.index_cast %add3A_265 : i32 to index
        %get3A_267 = tpu.vector_load %arg10[%get3A_266] {strides = array<i32>} : memref<40064xf32, #tpu.memory_space<vmem>>, vector<16xf32>,
        %get3A_268 = vector.shape_cast %get3A_267 : vector<16xf32> to vector<16xf32>
        %mul3A_269 = vector.broadcast %select_n3A_101 : f32 to vector<16xf32>
        %mul3A_270 = arith.mulf %get3A_261, %mul3A_269 : vector<16xf32>
        %add3A_271 = arith.addf %get3A_268, %mul3A_270 : vector<16xf32>
        %mul3A_272 = arith.constant 128 : i32
        %mul3A_273 = arith.muli %min3A, %mul3A_272 : i32
        %add3A_274 = arith.constant 112 : i32
        %add3A_275 = arith.addi %mul3A_273, %add3A_274 : i32
        %swap3A_276 = arith.index_cast %add3A_275 : i32 to index
        %swap3A_277 = tpu.vector_load %arg10[%swap3A_276] {strides = array<i32>} : memref<40064xf32, #tpu.memory_space<vmem>>, vector<16xf32>,
        %swap3A_278 = vector.shape_cast %swap3A_277 : vector<16xf32> to vector<16xf32>
        %swap3A_279 = vector.shape_cast %add3A_271 : vector<16xf32> to vector<16xf32>
        tpu.vector_store %arg10[%swap3A_276], %swap3A_279 {strides = array<i32>} : memref<40064xf32, #tpu.memory_space<vmem>>, vector<16xf32>,
        %scan3A_280 = arith.constant 0 : i32
        scf.yield %scan3A_280 : i32
      }
      %scan3A_88 = arith.constant 256 : i32
      %while3A_89 = arith.constant 0 : i32
      scf.yield %while3A_89 : i32
    }
    %while3A_69 = arith.constant 1 : i32
    %while3A_70 = scf.for %while3A_73 = %while3A_66 to %while3A_62 step %while3A_69 iter_args(%while3A_74 = %while3A_68) -> (i32)  : i32 {
      %mul3A_75 = arith.constant 256 : i32
      %mul3A_76 = arith.muli %while3A_73, %mul3A_75 : i32
      %add3A_77 = arith.addi %mul3A_30, %mul3A_76 : i32
      "tpu.region"() ({
        %run_scoped3A = tpu.sem_alloc : memref<!tpu.dma_semaphore, #tpu.memory_space<semaphore_mem>>
        %dma_start3A_90 = tpu.memref_slice %arg3[%add3A_77] : memref<320272xi32, #tpu.memory_space<hbm>> -> memref<256xi32, #tpu.memory_space<hbm>>
        %dma_start3A_91 = tpu.memref_slice %arg3[%add3A_77] : memref<320272xi32, #tpu.memory_space<hbm>> -> memref<256xi32, #tpu.memory_space<hbm>>
        tpu.enqueue_dma source(%dma_start3A_91 : memref<256xi32, #tpu.memory_space<hbm>>) target(%arg7 : memref<256xi32, #tpu.memory_space<vmem>>) target_semaphore(%run_scoped3A : memref<!tpu.dma_semaphore, #tpu.memory_space<semaphore_mem>>)
        %dma_wait3A_92 = tpu.memref_slice %arg3[%add3A_77] : memref<320272xi32, #tpu.memory_space<hbm>> -> memref<256xi32, #tpu.memory_space<hbm>>
        %dma_wait3A_93 = tpu.memref_slice %arg3[%add3A_77] : memref<320272xi32, #tpu.memory_space<hbm>> -> memref<256xi32, #tpu.memory_space<hbm>>
        tpu.wait_dma2 semaphore(%run_scoped3A : memref<!tpu.dma_semaphore, #tpu.memory_space<semaphore_mem>>) src(%dma_wait3A_93 : memref<256xi32, #tpu.memory_space<hbm>>) dst(%arg7 : memref<256xi32, #tpu.memory_space<vmem>>)
        tpu.yield
      }) : () -> ()
      "tpu.region"() ({
        %run_scoped3A = tpu.sem_alloc : memref<!tpu.dma_semaphore, #tpu.memory_space<semaphore_mem>>
        %dma_start3A_90 = tpu.memref_slice %arg4[%add3A_77] : memref<320272xi32, #tpu.memory_space<hbm>> -> memref<272xi32, #tpu.memory_space<hbm>>
        %dma_start3A_91 = tpu.memref_slice %arg4[%add3A_77] : memref<320272xi32, #tpu.memory_space<hbm>> -> memref<272xi32, #tpu.memory_space<hbm>>
        tpu.enqueue_dma source(%dma_start3A_91 : memref<272xi32, #tpu.memory_space<hbm>>) target(%arg8 : memref<272xi32, #tpu.memory_space<vmem>>) target_semaphore(%run_scoped3A : memref<!tpu.dma_semaphore, #tpu.memory_space<semaphore_mem>>)
        %dma_wait3A_92 = tpu.memref_slice %arg4[%add3A_77] : memref<320272xi32, #tpu.memory_space<hbm>> -> memref<272xi32, #tpu.memory_space<hbm>>
        %dma_wait3A_93 = tpu.memref_slice %arg4[%add3A_77] : memref<320272xi32, #tpu.memory_space<hbm>> -> memref<272xi32, #tpu.memory_space<hbm>>
        tpu.wait_dma2 semaphore(%run_scoped3A : memref<!tpu.dma_semaphore, #tpu.memory_space<semaphore_mem>>) src(%dma_wait3A_93 : memref<272xi32, #tpu.memory_space<hbm>>) dst(%arg8 : memref<272xi32, #tpu.memory_space<vmem>>)
        tpu.yield
      }) : () -> ()
      %dma_start3A = arith.constant 0 : i32
      %dma_start3A_78 = arith.constant 0 : i32
      %dma_start3A_79 = tpu.memref_slice %arg2[%dma_start3A, %dma_start3A_78] : memref<320000x128xf32, #tpu.memory_space<hbm>> -> memref<320000x128xf32, #tpu.memory_space<hbm>>
      tpu.enqueue_indirect_dma source(%dma_start3A_79 : memref<320000x128xf32, #tpu.memory_space<hbm>>) target(%arg9 : memref<256x128xf32, #tpu.memory_space<vmem>>) offsets(%arg7 : memref<256xi32, #tpu.memory_space<vmem>>) semaphore(%arg12 : memref<!tpu.dma_semaphore, #tpu.memory_space<semaphore_mem>>)
      %dma_wait3A = arith.constant 0 : i32
      %dma_wait3A_80 = arith.constant 0 : i32
      %dma_wait3A_81 = tpu.memref_slice %arg2[%dma_wait3A, %dma_wait3A_80] : memref<320000x128xf32, #tpu.memory_space<hbm>> -> memref<320000x128xf32, #tpu.memory_space<hbm>>
      tpu.wait_indirect_dma semaphore(%arg12 : memref<!tpu.dma_semaphore, #tpu.memory_space<semaphore_mem>>) src(%dma_wait3A_81 : memref<320000x128xf32, #tpu.memory_space<hbm>>) dst(%arg9 : memref<256x128xf32, #tpu.memory_space<vmem>>)
      %scan3A_82 = arith.constant 0 : i32
      %scan3A_83 = arith.constant 0 : i32
      %scan3A_84 = arith.constant 256 : i32
      %scan3A_85 = arith.addi %scan3A_83, %scan3A_84 : i32
      %scan3A_86 = arith.constant 1 : i32
      %scan3A_87 = scf.for %scan3A_90 = %scan3A_83 to %scan3A_85 step %scan3A_86 iter_args(%scan3A_91 = %scan3A_82) -> (i32)  : i32 {
        %add3A_92 = arith.addi %add3A_77, %scan3A_90 : i32
        %get3A_93 = arith.index_cast %scan3A_90 : i32 to index
        %get3A_94 = tpu.vector_load %arg8[%get3A_93] {strides = array<i32>} : memref<272xi32, #tpu.memory_space<vmem>>, vector<16xi32>,
        %get3A_95 = vector.shape_cast %get3A_94 : vector<16xi32> to vector<16xi32>
        %slice3A_96 = vector.extract_strided_slice %get3A_95 {offsets = [0], sizes = [1], strides = [1]} : vector<16xi32> to vector<1xi32>
        %squeeze3A_97 = vector.extract %slice3A_96[0] : i32 from vector<1xi32>
        %ge3A = arith.cmpi sge, %add3A_92, %squeeze3A : i32
        %lt3A = arith.cmpi slt, %add3A_92, %squeeze3A_6 : i32
        %and3A_98 = arith.andi %ge3A, %lt3A : i1
        %jit3A_99 = arith.constant 1.000000e+00 : f32
        %jit3A_100 = arith.constant 0.000000e+00 : f32
        %select_n3A_101 = arith.select %and3A_98, %jit3A_99, %jit3A_100 : f32
        %sub3A_102 = arith.subi %squeeze3A_97, %mul3A_2 : i32
        %jit3A_103 = arith.constant 0 : i32
        %jit3A_104 = arith.constant 312 : i32
        %max3A = arith.maxsi %jit3A_103, %sub3A_102 : i32
        %min3A = arith.minsi %jit3A_104, %max3A : i32
        %get3A_105 = arith.index_cast %scan3A_90 : i32 to index
        %get3A_106 = arith.constant 0 : index
        %get3A_107 = tpu.vector_load %arg9[%get3A_105, %get3A_106] {strides = array<i32>} : memref<256x128xf32, #tpu.memory_space<vmem>>, vector<1x16xf32>,
        %get3A_108 = vector.shape_cast %get3A_107 : vector<1x16xf32> to vector<16xf32>
        %mul3A_109 = arith.constant 128 : i32
        %mul3A_110 = arith.muli %min3A, %mul3A_109 : i32
        %add3A_111 = arith.constant 0 : i32
        %add3A_112 = arith.addi %mul3A_110, %add3A_111 : i32
        %get3A_113 = arith.index_cast %add3A_112 : i32 to index
        %get3A_114 = tpu.vector_load %arg10[%get3A_113] {strides = array<i32>} : memref<40064xf32, #tpu.memory_space<vmem>>, vector<16xf32>,
        %get3A_115 = vector.shape_cast %get3A_114 : vector<16xf32> to vector<16xf32>
        %mul3A_116 = vector.broadcast %select_n3A_101 : f32 to vector<16xf32>
        %mul3A_117 = arith.mulf %get3A_108, %mul3A_116 : vector<16xf32>
        %add3A_118 = arith.addf %get3A_115, %mul3A_117 : vector<16xf32>
        %mul3A_119 = arith.constant 128 : i32
        %mul3A_120 = arith.muli %min3A, %mul3A_119 : i32
        %add3A_121 = arith.constant 0 : i32
        %add3A_122 = arith.addi %mul3A_120, %add3A_121 : i32
        %swap3A = arith.index_cast %add3A_122 : i32 to index
        %swap3A_123 = tpu.vector_load %arg10[%swap3A] {strides = array<i32>} : memref<40064xf32, #tpu.memory_space<vmem>>, vector<16xf32>,
        %swap3A_124 = vector.shape_cast %swap3A_123 : vector<16xf32> to vector<16xf32>
        %swap3A_125 = vector.shape_cast %add3A_118 : vector<16xf32> to vector<16xf32>
        tpu.vector_store %arg10[%swap3A], %swap3A_125 {strides = array<i32>} : memref<40064xf32, #tpu.memory_space<vmem>>, vector<16xf32>,
        %get3A_126 = arith.index_cast %scan3A_90 : i32 to index
        %get3A_127 = arith.constant 16 : index
        %get3A_128 = tpu.vector_load %arg9[%get3A_126, %get3A_127] {strides = array<i32>} : memref<256x128xf32, #tpu.memory_space<vmem>>, vector<1x16xf32>,
        %get3A_129 = vector.shape_cast %get3A_128 : vector<1x16xf32> to vector<16xf32>
        %mul3A_130 = arith.constant 128 : i32
        %mul3A_131 = arith.muli %min3A, %mul3A_130 : i32
        %add3A_132 = arith.constant 16 : i32
        %add3A_133 = arith.addi %mul3A_131, %add3A_132 : i32
        %get3A_134 = arith.index_cast %add3A_133 : i32 to index
        %get3A_135 = tpu.vector_load %arg10[%get3A_134] {strides = array<i32>} : memref<40064xf32, #tpu.memory_space<vmem>>, vector<16xf32>,
        %get3A_136 = vector.shape_cast %get3A_135 : vector<16xf32> to vector<16xf32>
        %mul3A_137 = vector.broadcast %select_n3A_101 : f32 to vector<16xf32>
        %mul3A_138 = arith.mulf %get3A_129, %mul3A_137 : vector<16xf32>
        %add3A_139 = arith.addf %get3A_136, %mul3A_138 : vector<16xf32>
        %mul3A_140 = arith.constant 128 : i32
        %mul3A_141 = arith.muli %min3A, %mul3A_140 : i32
        %add3A_142 = arith.constant 16 : i32
        %add3A_143 = arith.addi %mul3A_141, %add3A_142 : i32
        %swap3A_144 = arith.index_cast %add3A_143 : i32 to index
        %swap3A_145 = tpu.vector_load %arg10[%swap3A_144] {strides = array<i32>} : memref<40064xf32, #tpu.memory_space<vmem>>, vector<16xf32>,
        %swap3A_146 = vector.shape_cast %swap3A_145 : vector<16xf32> to vector<16xf32>
        %swap3A_147 = vector.shape_cast %add3A_139 : vector<16xf32> to vector<16xf32>
        tpu.vector_store %arg10[%swap3A_144], %swap3A_147 {strides = array<i32>} : memref<40064xf32, #tpu.memory_space<vmem>>, vector<16xf32>,
        %get3A_148 = arith.index_cast %scan3A_90 : i32 to index
        %get3A_149 = arith.constant 32 : index
        %get3A_150 = tpu.vector_load %arg9[%get3A_148, %get3A_149] {strides = array<i32>} : memref<256x128xf32, #tpu.memory_space<vmem>>, vector<1x16xf32>,
        %get3A_151 = vector.shape_cast %get3A_150 : vector<1x16xf32> to vector<16xf32>
        %mul3A_152 = arith.constant 128 : i32
        %mul3A_153 = arith.muli %min3A, %mul3A_152 : i32
        %add3A_154 = arith.constant 32 : i32
        %add3A_155 = arith.addi %mul3A_153, %add3A_154 : i32
        %get3A_156 = arith.index_cast %add3A_155 : i32 to index
        %get3A_157 = tpu.vector_load %arg10[%get3A_156] {strides = array<i32>} : memref<40064xf32, #tpu.memory_space<vmem>>, vector<16xf32>,
        %get3A_158 = vector.shape_cast %get3A_157 : vector<16xf32> to vector<16xf32>
        %mul3A_159 = vector.broadcast %select_n3A_101 : f32 to vector<16xf32>
        %mul3A_160 = arith.mulf %get3A_151, %mul3A_159 : vector<16xf32>
        %add3A_161 = arith.addf %get3A_158, %mul3A_160 : vector<16xf32>
        %mul3A_162 = arith.constant 128 : i32
        %mul3A_163 = arith.muli %min3A, %mul3A_162 : i32
        %add3A_164 = arith.constant 32 : i32
        %add3A_165 = arith.addi %mul3A_163, %add3A_164 : i32
        %swap3A_166 = arith.index_cast %add3A_165 : i32 to index
        %swap3A_167 = tpu.vector_load %arg10[%swap3A_166] {strides = array<i32>} : memref<40064xf32, #tpu.memory_space<vmem>>, vector<16xf32>,
        %swap3A_168 = vector.shape_cast %swap3A_167 : vector<16xf32> to vector<16xf32>
        %swap3A_169 = vector.shape_cast %add3A_161 : vector<16xf32> to vector<16xf32>
        tpu.vector_store %arg10[%swap3A_166], %swap3A_169 {strides = array<i32>} : memref<40064xf32, #tpu.memory_space<vmem>>, vector<16xf32>,
        %get3A_170 = arith.index_cast %scan3A_90 : i32 to index
        %get3A_171 = arith.constant 48 : index
        %get3A_172 = tpu.vector_load %arg9[%get3A_170, %get3A_171] {strides = array<i32>} : memref<256x128xf32, #tpu.memory_space<vmem>>, vector<1x16xf32>,
        %get3A_173 = vector.shape_cast %get3A_172 : vector<1x16xf32> to vector<16xf32>
        %mul3A_174 = arith.constant 128 : i32
        %mul3A_175 = arith.muli %min3A, %mul3A_174 : i32
        %add3A_176 = arith.constant 48 : i32
        %add3A_177 = arith.addi %mul3A_175, %add3A_176 : i32
        %get3A_178 = arith.index_cast %add3A_177 : i32 to index
        %get3A_179 = tpu.vector_load %arg10[%get3A_178] {strides = array<i32>} : memref<40064xf32, #tpu.memory_space<vmem>>, vector<16xf32>,
        %get3A_180 = vector.shape_cast %get3A_179 : vector<16xf32> to vector<16xf32>
        %mul3A_181 = vector.broadcast %select_n3A_101 : f32 to vector<16xf32>
        %mul3A_182 = arith.mulf %get3A_173, %mul3A_181 : vector<16xf32>
        %add3A_183 = arith.addf %get3A_180, %mul3A_182 : vector<16xf32>
        %mul3A_184 = arith.constant 128 : i32
        %mul3A_185 = arith.muli %min3A, %mul3A_184 : i32
        %add3A_186 = arith.constant 48 : i32
        %add3A_187 = arith.addi %mul3A_185, %add3A_186 : i32
        %swap3A_188 = arith.index_cast %add3A_187 : i32 to index
        %swap3A_189 = tpu.vector_load %arg10[%swap3A_188] {strides = array<i32>} : memref<40064xf32, #tpu.memory_space<vmem>>, vector<16xf32>,
        %swap3A_190 = vector.shape_cast %swap3A_189 : vector<16xf32> to vector<16xf32>
        %swap3A_191 = vector.shape_cast %add3A_183 : vector<16xf32> to vector<16xf32>
        tpu.vector_store %arg10[%swap3A_188], %swap3A_191 {strides = array<i32>} : memref<40064xf32, #tpu.memory_space<vmem>>, vector<16xf32>,
        %get3A_192 = arith.index_cast %scan3A_90 : i32 to index
        %get3A_193 = arith.constant 64 : index
        %get3A_194 = tpu.vector_load %arg9[%get3A_192, %get3A_193] {strides = array<i32>} : memref<256x128xf32, #tpu.memory_space<vmem>>, vector<1x16xf32>,
        %get3A_195 = vector.shape_cast %get3A_194 : vector<1x16xf32> to vector<16xf32>
        %mul3A_196 = arith.constant 128 : i32
        %mul3A_197 = arith.muli %min3A, %mul3A_196 : i32
        %add3A_198 = arith.constant 64 : i32
        %add3A_199 = arith.addi %mul3A_197, %add3A_198 : i32
        %get3A_200 = arith.index_cast %add3A_199 : i32 to index
        %get3A_201 = tpu.vector_load %arg10[%get3A_200] {strides = array<i32>} : memref<40064xf32, #tpu.memory_space<vmem>>, vector<16xf32>,
        %get3A_202 = vector.shape_cast %get3A_201 : vector<16xf32> to vector<16xf32>
        %mul3A_203 = vector.broadcast %select_n3A_101 : f32 to vector<16xf32>
        %mul3A_204 = arith.mulf %get3A_195, %mul3A_203 : vector<16xf32>
        %add3A_205 = arith.addf %get3A_202, %mul3A_204 : vector<16xf32>
        %mul3A_206 = arith.constant 128 : i32
        %mul3A_207 = arith.muli %min3A, %mul3A_206 : i32
        %add3A_208 = arith.constant 64 : i32
        %add3A_209 = arith.addi %mul3A_207, %add3A_208 : i32
        %swap3A_210 = arith.index_cast %add3A_209 : i32 to index
        %swap3A_211 = tpu.vector_load %arg10[%swap3A_210] {strides = array<i32>} : memref<40064xf32, #tpu.memory_space<vmem>>, vector<16xf32>,
        %swap3A_212 = vector.shape_cast %swap3A_211 : vector<16xf32> to vector<16xf32>
        %swap3A_213 = vector.shape_cast %add3A_205 : vector<16xf32> to vector<16xf32>
        tpu.vector_store %arg10[%swap3A_210], %swap3A_213 {strides = array<i32>} : memref<40064xf32, #tpu.memory_space<vmem>>, vector<16xf32>,
        %get3A_214 = arith.index_cast %scan3A_90 : i32 to index
        %get3A_215 = arith.constant 80 : index
        %get3A_216 = tpu.vector_load %arg9[%get3A_214, %get3A_215] {strides = array<i32>} : memref<256x128xf32, #tpu.memory_space<vmem>>, vector<1x16xf32>,
        %get3A_217 = vector.shape_cast %get3A_216 : vector<1x16xf32> to vector<16xf32>
        %mul3A_218 = arith.constant 128 : i32
        %mul3A_219 = arith.muli %min3A, %mul3A_218 : i32
        %add3A_220 = arith.constant 80 : i32
        %add3A_221 = arith.addi %mul3A_219, %add3A_220 : i32
        %get3A_222 = arith.index_cast %add3A_221 : i32 to index
        %get3A_223 = tpu.vector_load %arg10[%get3A_222] {strides = array<i32>} : memref<40064xf32, #tpu.memory_space<vmem>>, vector<16xf32>,
        %get3A_224 = vector.shape_cast %get3A_223 : vector<16xf32> to vector<16xf32>
        %mul3A_225 = vector.broadcast %select_n3A_101 : f32 to vector<16xf32>
        %mul3A_226 = arith.mulf %get3A_217, %mul3A_225 : vector<16xf32>
        %add3A_227 = arith.addf %get3A_224, %mul3A_226 : vector<16xf32>
        %mul3A_228 = arith.constant 128 : i32
        %mul3A_229 = arith.muli %min3A, %mul3A_228 : i32
        %add3A_230 = arith.constant 80 : i32
        %add3A_231 = arith.addi %mul3A_229, %add3A_230 : i32
        %swap3A_232 = arith.index_cast %add3A_231 : i32 to index
        %swap3A_233 = tpu.vector_load %arg10[%swap3A_232] {strides = array<i32>} : memref<40064xf32, #tpu.memory_space<vmem>>, vector<16xf32>,
        %swap3A_234 = vector.shape_cast %swap3A_233 : vector<16xf32> to vector<16xf32>
        %swap3A_235 = vector.shape_cast %add3A_227 : vector<16xf32> to vector<16xf32>
        tpu.vector_store %arg10[%swap3A_232], %swap3A_235 {strides = array<i32>} : memref<40064xf32, #tpu.memory_space<vmem>>, vector<16xf32>,
        %get3A_236 = arith.index_cast %scan3A_90 : i32 to index
        %get3A_237 = arith.constant 96 : index
        %get3A_238 = tpu.vector_load %arg9[%get3A_236, %get3A_237] {strides = array<i32>} : memref<256x128xf32, #tpu.memory_space<vmem>>, vector<1x16xf32>,
        %get3A_239 = vector.shape_cast %get3A_238 : vector<1x16xf32> to vector<16xf32>
        %mul3A_240 = arith.constant 128 : i32
        %mul3A_241 = arith.muli %min3A, %mul3A_240 : i32
        %add3A_242 = arith.constant 96 : i32
        %add3A_243 = arith.addi %mul3A_241, %add3A_242 : i32
        %get3A_244 = arith.index_cast %add3A_243 : i32 to index
        %get3A_245 = tpu.vector_load %arg10[%get3A_244] {strides = array<i32>} : memref<40064xf32, #tpu.memory_space<vmem>>, vector<16xf32>,
        %get3A_246 = vector.shape_cast %get3A_245 : vector<16xf32> to vector<16xf32>
        %mul3A_247 = vector.broadcast %select_n3A_101 : f32 to vector<16xf32>
        %mul3A_248 = arith.mulf %get3A_239, %mul3A_247 : vector<16xf32>
        %add3A_249 = arith.addf %get3A_246, %mul3A_248 : vector<16xf32>
        %mul3A_250 = arith.constant 128 : i32
        %mul3A_251 = arith.muli %min3A, %mul3A_250 : i32
        %add3A_252 = arith.constant 96 : i32
        %add3A_253 = arith.addi %mul3A_251, %add3A_252 : i32
        %swap3A_254 = arith.index_cast %add3A_253 : i32 to index
        %swap3A_255 = tpu.vector_load %arg10[%swap3A_254] {strides = array<i32>} : memref<40064xf32, #tpu.memory_space<vmem>>, vector<16xf32>,
        %swap3A_256 = vector.shape_cast %swap3A_255 : vector<16xf32> to vector<16xf32>
        %swap3A_257 = vector.shape_cast %add3A_249 : vector<16xf32> to vector<16xf32>
        tpu.vector_store %arg10[%swap3A_254], %swap3A_257 {strides = array<i32>} : memref<40064xf32, #tpu.memory_space<vmem>>, vector<16xf32>,
        %get3A_258 = arith.index_cast %scan3A_90 : i32 to index
        %get3A_259 = arith.constant 112 : index
        %get3A_260 = tpu.vector_load %arg9[%get3A_258, %get3A_259] {strides = array<i32>} : memref<256x128xf32, #tpu.memory_space<vmem>>, vector<1x16xf32>,
        %get3A_261 = vector.shape_cast %get3A_260 : vector<1x16xf32> to vector<16xf32>
        %mul3A_262 = arith.constant 128 : i32
        %mul3A_263 = arith.muli %min3A, %mul3A_262 : i32
        %add3A_264 = arith.constant 112 : i32
        %add3A_265 = arith.addi %mul3A_263, %add3A_264 : i32
        %get3A_266 = arith.index_cast %add3A_265 : i32 to index
        %get3A_267 = tpu.vector_load %arg10[%get3A_266] {strides = array<i32>} : memref<40064xf32, #tpu.memory_space<vmem>>, vector<16xf32>,
        %get3A_268 = vector.shape_cast %get3A_267 : vector<16xf32> to vector<16xf32>
        %mul3A_269 = vector.broadcast %select_n3A_101 : f32 to vector<16xf32>
        %mul3A_270 = arith.mulf %get3A_261, %mul3A_269 : vector<16xf32>
        %add3A_271 = arith.addf %get3A_268, %mul3A_270 : vector<16xf32>
        %mul3A_272 = arith.constant 128 : i32
        %mul3A_273 = arith.muli %min3A, %mul3A_272 : i32
        %add3A_274 = arith.constant 112 : i32
        %add3A_275 = arith.addi %mul3A_273, %add3A_274 : i32
        %swap3A_276 = arith.index_cast %add3A_275 : i32 to index
        %swap3A_277 = tpu.vector_load %arg10[%swap3A_276] {strides = array<i32>} : memref<40064xf32, #tpu.memory_space<vmem>>, vector<16xf32>,
        %swap3A_278 = vector.shape_cast %swap3A_277 : vector<16xf32> to vector<16xf32>
        %swap3A_279 = vector.shape_cast %add3A_271 : vector<16xf32> to vector<16xf32>
        tpu.vector_store %arg10[%swap3A_276], %swap3A_279 {strides = array<i32>} : memref<40064xf32, #tpu.memory_space<vmem>>, vector<16xf32>,
        %scan3A_280 = arith.constant 0 : i32
        scf.yield %scan3A_280 : i32
      }
      %scan3A_88 = arith.constant 256 : i32
      %while3A_89 = arith.constant 0 : i32
      scf.yield %while3A_89 : i32
    }
    %mul3A_71 = arith.constant 128 : i32
    %mul3A_72 = arith.muli %mul3A_2, %mul3A_71 : i32
    "tpu.region"() ({
      %run_scoped3A = tpu.sem_alloc : memref<!tpu.dma_semaphore, #tpu.memory_space<semaphore_mem>>
      %dma_start3A = tpu.memref_slice %arg6[%mul3A_72] : memref<1282048xf32, #tpu.memory_space<hbm>> -> memref<40064xf32, #tpu.memory_space<hbm>>
      %dma_start3A_73 = tpu.memref_slice %arg6[%mul3A_72] : memref<1282048xf32, #tpu.memory_space<hbm>> -> memref<40064xf32, #tpu.memory_space<hbm>>
      tpu.enqueue_dma source(%arg10 : memref<40064xf32, #tpu.memory_space<vmem>>) target(%dma_start3A_73 : memref<40064xf32, #tpu.memory_space<hbm>>) target_semaphore(%run_scoped3A : memref<!tpu.dma_semaphore, #tpu.memory_space<semaphore_mem>>)
      %dma_wait3A = tpu.memref_slice %arg6[%mul3A_72] : memref<1282048xf32, #tpu.memory_space<hbm>> -> memref<40064xf32, #tpu.memory_space<hbm>>
      %dma_wait3A_74 = tpu.memref_slice %arg6[%mul3A_72] : memref<1282048xf32, #tpu.memory_space<hbm>> -> memref<40064xf32, #tpu.memory_space<hbm>>
      tpu.wait_dma2 semaphore(%run_scoped3A : memref<!tpu.dma_semaphore, #tpu.memory_space<semaphore_mem>>) src(%arg10 : memref<40064xf32, #tpu.memory_space<vmem>>) dst(%dma_wait3A_74 : memref<40064xf32, #tpu.memory_space<hbm>>)
      tpu.yield
    }) : () -> ()
    return
  }
}

</mosaic_0001>

<sc_bundles>
// kernel: _sc_segsum.3.cloned.1.call-start
scs
__scs_entry_jumppad:
0x0: {  	(pc) =	sbr.rel $0x88, $3  }
0x1: {  	(tag) =	ssettag $0x0;
	lr =	simm.s32 $0x1  }
0x2: {  	[smem:$0x3F9D] =	sst lr;
	_ =	strace $0xD0000000  }
0x3: {  	_ = 	snop  }
0x4: {  	_ = 	snop  }
0x5: {  	_ = 	snop  }
0x6: {  	_ = 	snop  }
0x7: {  	_ = 	snop  }
__scs_overlays_trampoline_lowered:
0x8: {  	[smem:$0x3FAC] =	sst s0  }
0x9: {  	[smem:$0x3FAD] =	sst s1  }
0xa: {  	[smem:$0x3FAE] =	sst s2  }
0xb: {  	[smem:$0x3FAF] =	sst s3  }
0xc: {  	[smem:$0x3FB0] =	sst s4  }
0xd: {  	[smem:$0x3FB1] =	sst s5  }
0xe: {  	[smem:$0x3FB2] =	sst s6  }
0xf: {  	[smem:$0x3FB3] =	sst s7  }
0x10: {  	[smem:$0x3FB4] =	sst s8  }
0x11: {  	[smem:$0x3FB5] =	sst s9;
	s0 =	simm.s32 @!p0 $0x0  }
0x12: {  	s1 =	sld [smem:$0x3F9B];
	s0 =	simm.s32 @p0 $0x1  }
0x13: {  	[smem:$0x3FB6] =	sst s0;
	s0 =	simm.s32 @!p1 $0x0  }
0x14: {  	s2 =	sld [smem:$0x3F9A];
	s0 =	simm.s32 @p1 $0x1  }
0x15: {  	[smem:$0x3FB7] =	sst s0;
	s0 =	simm.s32 @!p2 $0x0  }
0x16: {  	s3 =	sld [smem:$0x3FDB];
	s0 =	simm.s32 @p2 $0x1  }
0x17: {  	s4 =	simm.s32 $0x1BF5;
	[smem:$0x3FB9] =	sst s0  }
0x18: {  	s0 =	sld [smem:$0x3F9C];
	_ =	swait.ge [sflag:s4], $0x0  }
0x19: {  	s7 =	sld [smem:$0x3F9D]  }
0x1a: {  	s8 =	sadd.s32 $0xFFFFE003, lr  }
0x1b: {  	s9 =	sadd.s32 $0xFFFFFEF7, lr;
	s5 =	simm.s32 $0xFFFFFFFF;
	p2 =	slt.u32 s8, $0xFFFFF086  }
0x1c: {  	p1 =	slt.u32 s9, $0xF7A;
	s5 =	simm.s32 @!p2 $0x0  }
0x1d: {  	s5 =	simm.s32 @p1 $0x1;
	p0 =	seq.s32 s7, s2  }
0x1e: {  	s7 =	smul.u32 @!p0 $0xF7A, s2;
	p2 =	seq.s32 @!p0 s5, $0x0  }
0x1f: {  	s9 =	smul.u32 $0xF7A, s1;
	s8 =	simm.s32 @!p0 $0x1BF5;
	p2 =	por !p2, p0  }
0x20: {  	[sflag:s8] =	ssyncset.s32 @!p0 $0xFFFFF086;
	s6 =	sadd.s32 @!p0 s3, s7;
	s7 =	simm.s32 @!p0 $0x108  }
0x21: {  	s3 =	sadd.s32 s3, s9;
	s6 =	sadd.s32 @!p0 $0x88, s6;
	s7 =	simm.s32 @p2 $0x1082  }
0x22: {  	[simem:s7], [sflag:s8] =	dma.local @!p0 [hbm:s6], $0xF7A  }
0x23: {  	s9 =	sor.u32 $0xD0000000, s2;
	s6 =	simm.s32 $0x108;
	_ =	swait.ge @!p0 [sflag:s8], $0x0  }
0x24: {  	s3 =	sadd.s32 $0x88, s3;
	s6 =	simm.s32 @!p1 $0x1082;
	[sflag:s4] =	ssyncset.s32 $0xFFFFF086  }
0x25: {  	[simem:s6], [sflag:s4] =	dma.local [hbm:s3], $0xF7A  }
0x26: {  	[smem:$0x3F9D] =	sst s1;
	(tag) =	ssettag s2;
	_ =	strace s9  }
0x27: {  	s1 =	sld [smem:$0x3FAD]  }
0x28: {  	s2 =	sld [smem:$0x3FAE]  }
0x29: {  	s4 =	sld [smem:$0x3FB0]  }
0x2a: {  	p0 =	seq.s32 s5, $0x0;
	s5 =	sld [smem:$0x3FB1]  }
0x2b: {  	s6 =	sld [smem:$0x3FB2]  }
0x2c: {  	s7 =	sld [smem:$0x3FB3]  }
0x2d: {  	s3 =	simm.s32 $0x108;
	s8 =	sld [smem:$0x3FB4]  }
0x2e: {  	s3 =	simm.s32 @!p0 $0x1082;
	s9 =	sld [smem:$0x3FB5]  }
0x2f: {  	lr =	sadd.s32 s0, s3;
	s0 =	sld [smem:$0x3FAC]  }
0x30: {  	s3 =	sld [smem:$0x3FAF]  }
0x31: {  	[smem:$0x3FB8] =	sst s10  }
0x32: {  	s10 =	sld [smem:$0x3FB6];
	_ =	sdelay $0x3  }
0x33: {  	p0 =	seq.s32 s10, $0x1;
	s10 =	sld [smem:$0x3FB8];
	_ =	sdelay $0x3  }
0x34: {  	[smem:$0x3FB8] =	sst s10  }
0x35: {  	s10 =	sld [smem:$0x3FB7];
	_ =	sdelay $0x3  }
0x36: {  	p1 =	seq.s32 s10, $0x1;
	s10 =	sld [smem:$0x3FB8];
	_ =	sdelay $0x3  }
0x37: {  	[smem:$0x3FB8] =	sst s10  }
0x38: {  	s10 =	sld [smem:$0x3FB9]  }
0x39: {  	_ = 	snop;
	(pc) =	sbr.ind lr, $3  }
0x3a: {  	_ = 	snop  }
0x3b: {  	_ = 	snop  }
0x3c: {  	p2 =	seq.s32 s10, $0x1;
	s10 =	sld [smem:$0x3FB8]  }
0x3d: {  	_ =	shalt  }
0x3e: {  	_ =	shalt  }
0x3f: {  	_ =	shalt  }
0x40: {  	_ =	shalt  }
0x41: {  	_ =	shalt  }
0x42: {  	_ =	shalt  }
0x43: {  	_ =	shalt  }
0x44: {  	_ =	shalt  }
0x45: {  	_ =	shalt  }
0x46: {  	_ =	shalt  }
0x47: {  	_ =	shalt  }
0x48: {  	_ =	shalt  }
0x49: {  	_ =	shalt  }
0x4a: {  	_ =	shalt  }
0x4b: {  	_ =	shalt  }
0x4c: {  	_ =	shalt  }
0x4d: {  	_ =	shalt  }
0x4e: {  	_ =	shalt  }
0x4f: {  	_ =	shalt  }
0x50: {  	_ =	shalt  }
0x51: {  	_ =	shalt  }
0x52: {  	_ =	shalt  }
0x53: {  	_ =	shalt  }
0x54: {  	_ =	shalt  }
0x55: {  	_ =	shalt  }
0x56: {  	_ =	shalt  }
0x57: {  	_ =	shalt  }
0x58: {  	_ =	shalt  }
0x59: {  	_ =	shalt  }
0x5a: {  	_ =	shalt  }
0x5b: {  	_ =	shalt  }
0x5c: {  	_ =	shalt  }
0x5d: {  	_ =	shalt  }
0x5e: {  	_ =	shalt  }
0x5f: {  	_ =	shalt  }
0x60: {  	_ =	shalt  }
0x61: {  	_ =	shalt  }
0x62: {  	_ =	shalt  }
0x63: {  	_ =	shalt  }
0x64: {  	_ =	shalt  }
0x65: {  	_ =	shalt  }
0x66: {  	_ =	shalt  }
0x67: {  	_ =	shalt  }
0x68: {  	_ =	shalt  }
0x69: {  	_ =	shalt  }
0x6a: {  	_ =	shalt  }
0x6b: {  	_ =	shalt  }
0x6c: {  	_ =	shalt  }
0x6d: {  	_ =	shalt  }
0x6e: {  	_ =	shalt  }
0x6f: {  	_ =	shalt  }
0x70: {  	_ =	shalt  }
0x71: {  	_ =	shalt  }
0x72: {  	_ =	shalt  }
0x73: {  	_ =	shalt  }
0x74: {  	_ =	shalt  }
0x75: {  	_ =	shalt  }
0x76: {  	_ =	shalt  }
0x77: {  	_ =	shalt  }
0x78: {  	_ =	shalt  }
0x79: {  	_ =	shalt  }
0x7a: {  	_ =	shalt  }
0x7b: {  	_ =	shalt  }
0x7c: {  	_ =	shalt  }
0x7d: {  	_ =	shalt  }
0x7e: {  	_ =	shalt  }
0x7f: {  	_ =	shalt  }
0x80: {  	_ =	shalt  }
0x81: {  	_ =	shalt  }
0x82: {  	_ =	shalt  }
0x83: {  	_ =	shalt  }
0x84: {  	_ =	shalt  }
0x85: {  	_ =	shalt  }
0x86: {  	_ =	shalt  }
0x87: {  	_ =	shalt  }
.Lfunc_end0:
.L_simem_size_0:
called_computation_lowered:
.L_overlay_start_0:
0x88: {  	s2 =	sld [smem:$0x3FD9]  }
0x89: {  	s3 =	sld [smem:$0x3FFE];
	_ =	sdelay $0x1  }
0x8a: {  	s1 =	srdreg.scid  }
0x8b: {  	s0 =	sand.u32 $0x1, s1  }
0x8c: {  	s18 =	sshll.u32 s0, $0xA;
	s2 =	sadd.s32 s3, s2  }
0x8d: {  	s2 =	sadd.s32 s2, s18  }
0x8e: {  	[smem:$0x3FC4] =	sst s2  }
0x8f: {  	_ = 	snop  }
0x90: {  	s2 =	sld [smem:$0x3FC9]  }
0x91: {  	s19 =	sld [smem:$0x3FC8]  }
0x92: {  	s4 =	sld [smem:$0x3FC7]  }
0x93: {  	s5 =	sld [smem:$0x3FC6]  }
0x94: {  	s6 =	sld [smem:$0x3FD0];
	(tm) =	ssettm $0x1  }
0x95: {  	s7 =	sld [smem:$0x3FFB];
	_ =	sdelay $0x3  }
0x96: {  	_ =	strace s7  }
0x97: {  	s7 =	sld [smem:$0x3FFC];
	_ =	sdelay $0x3  }
0x98: {  	_ =	strace s7  }
0x99: {  	s7 =	sld [smem:$0x3FFD];
	_ =	sdelay $0x3  }
0x9a: {  	_ =	strace s7  }
0x9b: {  	_ =	strace $0x8FFFFFFF  }
0x9c: {  	s20 =	sld [smem:$0x3FDB];
	_ =	sdelay $0x1  }
0x9d: {  	s8 =	simm.s32 $_scs_section_size  }
0x9e: {  	s9 =	simm.s32 $_size__tile_overlayer_lowered;
	s10 =	simm.s32 $_tile_overlayer_lowered  }
0x9f: {  	s23 =	simm.s32 $0x1BFF;
	s22 =	sshll.u32 s10, $0x1;
	s7 =	sadd.s32 s8, s20  }
0xa0: {  	s11 =	simm.s32 $0x0;
	s21 =	sshll.u32 s9, $0x1;
	s9 =	sadd.s32 s22, s7  }
0xa1: {  	[timem:s11], [sflag:s23] =	dma.local [hbm:s9], s21  }
0xa2: {  	_ =	swait.ge [sflag:s23], s21  }
0xa3: {  	s8 =	ssub.s32 $0x0, s21;
	[sflag:s23] =	ssyncset.done $0x0  }
0xa4: {  	[sflag:s23] =	ssyncadd.s32 s8;
	_ =	sdelay $0x1  }
0xa5: {  	s24 =	simm.s32 $0x1B8B  }
0xa6: {  	_ =	swait.ge [sflag:s24], $0x1  }
0xa7: {  	[sflag:s24] =	ssyncset.done $0x0  }
0xa8: {  	s25 =	simm.s32 $0x1B8E;
	[sflag:s24] =	ssyncadd.s32 $0xFFFFFFFF  }
0xa9: {  	s26 =	simm.s32 $execute0_lowered;
	[smem:$0x3FD2] =	sst s25  }
0xaa: {  	s8 =	sshll.u32 s26, $0x1;
	_ =	strace $0x80000046;
	[dreg:$0x1] =	wrdreg $0xFFFFFFFF  }
0xab: {  	s28 =	simm.s32 $_size_execute0_lowered;
	s7 =	sadd.s32 s7, s8;
	[dreg:$0x0] =	wrdreg $0x0  }
0xac: {  	s8 =	sshll.u32 s28, $0x1;
	[dreg:$0x2] =	wrdreg s7  }
0xad: {  	[dreg:$0x3] =	wrdreg s8  }
0xae: {  	[dreg:$0x4] =	wrdreg $0xC0  }
0xaf: {  	_ =	task [dreg:s11], $0x5FFFF  }
0xb0: {  	[dreg:$0x1] =	wrdreg $0xFFFFFFFF  }
0xb1: {  	[dreg:$0x0] =	wrdreg $0x60  }
0xb2: {  	[dreg:$0x2] =	wrdreg s2  }
0xb3: {  	[dreg:$0x3] =	wrdreg s19  }
0xb4: {  	[dreg:$0x4] =	wrdreg s4  }
0xb5: {  	[dreg:$0x5] =	wrdreg s5  }
0xb6: {  	[dreg:$0x6] =	wrdreg s6  }
0xb7: {  	[dreg:$0x7] =	wrdreg $0x9  }
0xb8: {  	_ =	task.clear_ibuf [dreg:s11], $0x8FFFF;
	_ =	strace $0x90000046  }
0xb9: {  	s29 =	simm.s32 $0x9;
	_ =	strace $0x80000048  }
0xba: {  	_ =	swait.ge [sflag:s29], $0x1  }
0xbb: {  	[sflag:s29] =	ssyncadd.s32 $0xFFFFFFFF  }
0xbc: {  	_ =	strace $0x90000048  }
0xbd: {  	_ =	sfence  }
0xbe: {  	s30 =	sld [smem:$0x0];
	_ =	sdelay $0x2  }
0xbf: {  	s31 =	sshll.u32 s1, $0xD;
	s1 =	sshrl.u32 s1, $0x2  }
0xc0: {  	s3 =	sand.u32 $0x4000, s31;
	s1 =	sadd.s32 s1, s30  }
0xc1: {  	s0 =	sor.u32 s3, s0;
	s1 =	sshll.u32 s1, $0x11  }
0xc2: {  	s0 =	sor.u32 s1, s0  }
0xc3: {  	s0 =	sadd.s32 $0x8F2B, s0  }
0xc4: {  	[sflag:s0] =	ssyncadd.remote.s32 $0x1  }
0xc5: {  	_ =	sfence.sel $0xFFFF  }
0xc6: {  	[dreg:$0x0] =	wrdreg $0xFFFFFFFF;
	(pc) =	sbr.abs _section_cstart, $3  }
0xc7: {  	[dreg:$0x1] =	wrdreg $0xFFFFFFFF  }
0xc8: {  	_ =	task.clear_ibuf [dreg:s11], $0x2FFFF;
	_ =	strace $0x9FFFFFFF  }
0xc9: {  	(tm) =	ssettm $0x7FFFFFFF  }
tec
execute0_lowered:
.L_overlay_start_1:
0x0: {  	(tag) =	ssettag $0x1  }
0x1: {  	s0 =	rddreg [dreg:$0x0]  }
0x2: {  	s2 =	rddreg [dreg:$0x1]  }
0x3: {  	s4 =	rddreg [dreg:$0x2]  }
0x4: {  	s5 =	rddreg [dreg:$0x3]  }
0x5: {  	s9 =	rddreg [dreg:$0x4]  }
0x6: {  	s6 =	srdreg.scid;
	s3 =	stileid.u32  }
0x7: {  	s12 =	simm.s32 $0x2;
	s13 =	simm.s32 $0x1;
	s14 =	simm.s32 $0x100  }
0x8: {  	s15 =	simm.s32 $0x280;
	s16 =	simm.s32 $0x8280;
	s17 =	simm.s32 $0x0  }
.Ltmp0:
0x9: {  	s7 =	sand.u32 $0x1, s6;
	s8 =	sshll.u32 s3, $0x1;
	(pc) =	sbr.rel .LBB2_1-.Ltmp0, $4  }
0xa: {  	s6 =	simm.s32 $0x0;
	s10 =	ssub.s32 $0x2, s7;
	s7 =	sor.u32 s7, s8  }
0xb: {  	[smem:$0x7FF] =	sst s6;
	s31 =	sshrl.u32 s10, $0x1;
	s11 =	smul.u32 $0x1390, s7  }
0xc: {  	_ =	strace $0x80000047;
	s8 =	smul.u32 $0xFFFFFEC7, s7;
	s10 =	ssub.s32 s10, s31  }
0xd: {  	v0 =	vimm.f32 $0.0e+00;
	s9 =	sadd.s32 s9, s11;
	s10 =	smax.u32 s10, $0x1;
	s11 =	simm.s32 $0x11F00  }
.LBB2_7:
0xe: {  	s17 =	sadd.s32 $0x1, s17  }
0xf: {  	p0 =	sne.s32 s17, s10  }
.Ltmp1:
0x10: {  	_ = 	snop;
	(pc) =	sbr.rel @!p0 .LBB2_8-.Ltmp1, $4  }
0x11: {  	[hbm4b:s9+s6] =	stream.linear.scatter [tilespmem:s16], [sflag:$0x2], $0x9C80, $0x38;
	[tilespmem:$0x11F80] =	vst v63  }
0x12: {  	_ =	swait.ge [sflag:s12], $0x9C80  }
0x13: {  	[sflag:s12] =	ssyncset.done $0x0  }
0x14: {  	[sflag:s12] =	ssyncadd.s32 $0xFFFF6380  }
.LBB2_1:
0x15: {  	[tilespmem:s11], [sflag:$0x2] =	stream.linear.gather [hbm4b:s5+s6], $0x80, $0x38;
	[tilespmem:$0x11F80] =	vst v63  }
0x16: {  	_ =	swait.ge [sflag:s12], $0x80  }
0x17: {  	[sflag:s12] =	ssyncset.done $0x0  }
0x18: {  	[sflag:s12] =	ssyncadd.s32 $0xFFFFFF80  }
0x19: {  	s18 =	simm.s32 $0x40;
	s22 =	simm.s32 $0x0;
	v1 =	vld [tilespmem:s7+$0x11F00]  }
.LBB2_2:
0x1a: {  	p0 =	sne.s32 s18, $0x271C0;
	[tilespmem:s22+$0x8280] =	vst v0;
	s19 =	smov.u32 s18;
	s18 =	sadd.s32 $0x40, s18  }
.Ltmp2:
0x1b: {  	(pc) =	sbr.rel @p0 .LBB2_2-.Ltmp2, $2  }
0x1c: {  	_ =	sdelay $0x2  }
0x1d: {  	s22 =	sshra.s32 s19, $0x2  }
0x1e: {  	(v2sf) =	vpush v1, $0x0;
	_ =	sdelay $0x6  }
0x1f: {  	(v2sf) =	vpush v1, $0x1;
	_ =	sdelay $0x7  }
0x20: {  	s18 =	spop (v2sf)  }
0x21: {  	s19 =	sand.u32 $0x7, s18  }
0x22: {  	s20 =	sshra.s32 s18, $0x1F;
	p0 =	slt.s32 s18, $0x1;
	p1 =	sne.s32 s19, $0x0  }
0x23: {  	s30 =	sshrl.u32 s20, $0x1D;
	p0 =	por !p0, !p1  }
0x24: {  	s20 =	simm.s32 $0x1;
	s19 =	sadd.s32 s30, s18;
	p0 =	por !p0, !p0  }
0x25: {  	s19 =	sshrl.u32 s19, $0x3;
	s20 =	simm.s32 @!p0 $0x0  }
0x26: {  	s20 =	ssub.s32 s19, s20  }
0x27: {  	s19 =	spop (v2sf);
	s20 =	sshll.u32 s20, $0x3  }
0x28: {  	s21 =	ssub.s32 s19, s20  }
0x29: {  	s21 =	sadd.s32 $0xFF, s21  }
0x2a: {  	s23 =	sand.u32 $0xFF, s21  }
0x2b: {  	s24 =	sshra.s32 s21, $0x1F;
	p5 =	slt.s32 s21, $0x1;
	p6 =	sne.s32 s23, $0x0  }
0x2c: {  	s31 =	sshrl.u32 s24, $0x18;
	p0 =	por !p5, !p6  }
0x2d: {  	s23 =	simm.s32 $0x1;
	s21 =	sadd.s32 s31, s21;
	p0 =	por !p0, !p0  }
0x2e: {  	s21 =	sshra.s32 s21, $0x8;
	s23 =	simm.s32 @!p0 $0x0  }
0x2f: {  	s21 =	ssub.s32 s21, s23  }
0x30: {  	p0 =	slt.s32 s21, $0x1  }
.Ltmp3:
0x31: {  	_ = 	snop;
	(pc) =	sbr.rel @p0 .LBB2_7-.Ltmp3, $2  }
0x32: {  	_ =	sdelay $0x2  }
0x33: {  	[tilespmem:s22+$0x8280] =	vst v0;
	s22 =	simm.s32 $0x0;
	s24 =	simm.s32 $0x0;
	s23 =	smov.u32 s20  }
.LBB2_4:
0x34: {  	s25 =	sshll.u32 s24, $0x8  }
0x35: {  	s25 =	sadd.s32 s20, s25  }
0x36: {  	s25 =	sshrl.u32 s25, $0x3  }
0x37: {  	s26 =	sadd.s32 s2, s25  }
0x38: {  	[tilespmem:s22], [sflag:$0x2] =	stream.linear.gather [hbm4b:s26+s22], $0x100, $0x38;
	[tilespmem:$0x11F80] =	vst v63  }
0x39: {  	_ =	swait.ge [sflag:s12], $0x100  }
0x3a: {  	[sflag:s12] =	ssyncset.done $0x0  }
0x3b: {  	s25 =	sadd.s32 s4, s25;
	[sflag:s12] =	ssyncadd.s32 $0xFFFFFF00  }
0x3c: {  	[tilespmem:s14], [sflag:$0x2] =	stream.linear.gather [hbm4b:s25+s22], $0x110, $0x38;
	[tilespmem:$0x11F80] =	vst v63  }
0x3d: {  	_ =	swait.ge [sflag:s12], $0x110  }
0x3e: {  	[sflag:s12] =	ssyncset.done $0x0  }
0x3f: {  	[sflag:s12] =	ssyncadd.s32 $0xFFFFFEF0  }
0x40: {  	[tilespmem:s15], [sflag:$0x1] =	stream.indirect.gather [hbm4b:s0+s14], $0x80, s22, s14, $0xb8;
	[tilespmem:$0x11F80] =	vst v63  }
0x41: {  	_ =	swait.ge [sflag:s13], $0x8000  }
0x42: {  	[sflag:s13] =	ssyncset.done $0x0  }
0x43: {  	s1 =	simm.s32 $0x0;
	[sflag:s13] =	ssyncadd.s32 $0xFFFF8000  }
0x44: {  	v1 =	vld [tilespmem:s1+$0x100];
	_ =	sdelay $0x4  }
0x45: {  	(v2sf) =	vpush v1, $0x0;
	_ =	sdelay $0xe  }
0x46: {  	s26 =	spop (v2sf)  }
0x47: {  	s25 =	sadd.s32 s8, s26  }
0x48: {  	p0 =	sgt.s32 s25, $0x0  }
0x49: {  	s30 =	simm.s32 $0x2C0;
	s25 =	simm.s32 @!p0 $0x0  }
0x4a: {  	v1 =	vld [tilespmem:s30+$0xFFFFFFC0];
	s25 =	smin.u32 s25, $0x138  }
0x4b: {  	s28 =	sshll.u32 s25, $0x7  }
0x4c: {  	p0 =	slt.s32 s23, s19;
	s25 =	simm.f32 $1.000000000e+00;
	v2 =	vld [tilespmem:s28+$0x8280]  }
0x4d: {  	p1 =	sge.s32 s23, s18;
	s25 =	simm.s32 @!p0 $0x0  }
0x4e: {  	s25 =	simm.s32 @!p1 $0x0  }
0x4f: {  	v1 =	vmul.f32 s25, v1;
	_ =	sdelay $0x1  }
0x50: {  	v1 =	vadd.f32 v1, v2;
	_ =	sdelay $0x1  }
0x51: {  	[tilespmem:s28+$0x8280] =	vst v1  }
0x52: {  	v1 =	vld [tilespmem:s30+$0xFFFFFFD0];
	_ =	sdelay $0x1  }
0x53: {  	v2 =	vld [tilespmem:s28+$0x8290];
	_ =	sdelay $0x2  }
0x54: {  	v1 =	vmul.f32 s25, v1;
	_ =	sdelay $0x1  }
0x55: {  	v1 =	vadd.f32 v1, v2;
	_ =	sdelay $0x1  }
0x56: {  	[tilespmem:s28+$0x8290] =	vst v1  }
0x57: {  	v1 =	vld [tilespmem:s30+$0xFFFFFFE0];
	_ =	sdelay $0x1  }
0x58: {  	v2 =	vld [tilespmem:s28+$0x82A0];
	_ =	sdelay $0x2  }
0x59: {  	v1 =	vmul.f32 s25, v1;
	_ =	sdelay $0x1  }
0x5a: {  	v1 =	vadd.f32 v1, v2;
	_ =	sdelay $0x1  }
0x5b: {  	[tilespmem:s28+$0x82A0] =	vst v1  }
0x5c: {  	v1 =	vld [tilespmem:s30+$0xFFFFFFF0];
	_ =	sdelay $0x1  }
0x5d: {  	v2 =	vld [tilespmem:s28+$0x82B0];
	_ =	sdelay $0x2  }
0x5e: {  	v1 =	vmul.f32 s25, v1;
	_ =	sdelay $0x1  }
0x5f: {  	v1 =	vadd.f32 v1, v2;
	_ =	sdelay $0x1  }
0x60: {  	[tilespmem:s28+$0x82B0] =	vst v1  }
0x61: {  	v1 =	vld [tilespmem:s30+$0x0];
	_ =	sdelay $0x1  }
0x62: {  	v2 =	vld [tilespmem:s28+$0x82C0];
	_ =	sdelay $0x2  }
0x63: {  	v1 =	vmul.f32 s25, v1;
	_ =	sdelay $0x1  }
0x64: {  	v1 =	vadd.f32 v1, v2;
	_ =	sdelay $0x1  }
0x65: {  	[tilespmem:s28+$0x82C0] =	vst v1  }
0x66: {  	v1 =	vld [tilespmem:s30+$0x10];
	_ =	sdelay $0x1  }
0x67: {  	v2 =	vld [tilespmem:s28+$0x82D0];
	_ =	sdelay $0x2  }
0x68: {  	v1 =	vmul.f32 s25, v1;
	_ =	sdelay $0x1  }
0x69: {  	v1 =	vadd.f32 v1, v2;
	_ =	sdelay $0x1  }
0x6a: {  	[tilespmem:s28+$0x82D0] =	vst v1  }
0x6b: {  	v1 =	vld [tilespmem:s30+$0x20];
	_ =	sdelay $0x1  }
0x6c: {  	v2 =	vld [tilespmem:s28+$0x82E0];
	_ =	sdelay $0x2  }
0x6d: {  	v1 =	vmul.f32 s25, v1;
	_ =	sdelay $0x1  }
0x6e: {  	v1 =	vadd.f32 v1, v2;
	_ =	sdelay $0x1  }
0x6f: {  	[tilespmem:s28+$0x82E0] =	vst v1  }
0x70: {  	v1 =	vld [tilespmem:s30+$0x30];
	_ =	sdelay $0x1  }
0x71: {  	v2 =	vld [tilespmem:s28+$0x82F0];
	_ =	sdelay $0x2  }
0x72: {  	v1 =	vmul.f32 s25, v1  }
0x73: {  	s29 =	simm.s32 $0x4  }
0x74: {  	s31 =	simm.s32 $0x8;
	s26 =	smov.u32 s23;
	s25 =	simm.s32 $0x340;
	v1 =	vadd.f32 v1, v2  }
.LBB2_5:
0x75: {  	s1 =	sshra.s32 s29, $0x2  }
0x76: {  	[tilespmem:s28+$0x82F0] =	vst v1;
	s26 =	sadd.s32 $0x1, s26;
	s29 =	smov.u32 s31;
	s30 =	sadd.s32 $0x4, s31  }
0x77: {  	p0 =	sne.s32 s31, $0x3FC;
	v1 =	vld [tilespmem:s1+$0x100];
	_ =	sdelay $0x4  }
0x78: {  	(v2sf) =	vpush v1, $0x0;
	_ =	sdelay $0xe  }
0x79: {  	s1 =	spop (v2sf)  }
0x7a: {  	s1 =	sadd.s32 s8, s1  }
0x7b: {  	p1 =	sgt.s32 s1, $0x0  }
0x7c: {  	s1 =	simm.s32 @!p1 $0x0  }
0x7d: {  	s1 =	smin.u32 s1, $0x138;
	v1 =	vld [tilespmem:s25+$0xFFFFFFC0]  }
0x7e: {  	s28 =	sshll.u32 s1, $0x7  }
0x7f: {  	s31 =	simm.f32 $1.000000000e+00;
	p1 =	slt.s32 s26, s19;
	v2 =	vld [tilespmem:s28+$0x8280]  }
0x80: {  	p2 =	sge.s32 s26, s18;
	s31 =	simm.s32 @!p1 $0x0  }
0x81: {  	s31 =	simm.s32 @!p2 $0x0  }
0x82: {  	v1 =	vmul.f32 s31, v1;
	_ =	sdelay $0x1  }
0x83: {  	v1 =	vadd.f32 v1, v2;
	_ =	sdelay $0x1  }
0x84: {  	[tilespmem:s28+$0x8280] =	vst v1  }
0x85: {  	v1 =	vld [tilespmem:s25+$0xFFFFFFD0];
	_ =	sdelay $0x1  }
0x86: {  	v2 =	vld [tilespmem:s28+$0x8290];
	_ =	sdelay $0x2  }
0x87: {  	v1 =	vmul.f32 s31, v1;
	_ =	sdelay $0x1  }
0x88: {  	v1 =	vadd.f32 v1, v2;
	_ =	sdelay $0x1  }
0x89: {  	[tilespmem:s28+$0x8290] =	vst v1  }
0x8a: {  	v1 =	vld [tilespmem:s25+$0xFFFFFFE0];
	_ =	sdelay $0x1  }
0x8b: {  	v2 =	vld [tilespmem:s28+$0x82A0];
	_ =	sdelay $0x2  }
0x8c: {  	v1 =	vmul.f32 s31, v1;
	_ =	sdelay $0x1  }
0x8d: {  	v1 =	vadd.f32 v1, v2;
	_ =	sdelay $0x1  }
0x8e: {  	[tilespmem:s28+$0x82A0] =	vst v1  }
0x8f: {  	v1 =	vld [tilespmem:s25+$0xFFFFFFF0];
	_ =	sdelay $0x1  }
0x90: {  	v2 =	vld [tilespmem:s28+$0x82B0];
	_ =	sdelay $0x2  }
0x91: {  	v1 =	vmul.f32 s31, v1;
	_ =	sdelay $0x1  }
0x92: {  	v1 =	vadd.f32 v1, v2;
	_ =	sdelay $0x1  }
0x93: {  	[tilespmem:s28+$0x82B0] =	vst v1  }
0x94: {  	v1 =	vld [tilespmem:s25+$0x0];
	_ =	sdelay $0x1  }
0x95: {  	v2 =	vld [tilespmem:s28+$0x82C0];
	_ =	sdelay $0x2  }
0x96: {  	v1 =	vmul.f32 s31, v1;
	_ =	sdelay $0x1  }
0x97: {  	v1 =	vadd.f32 v1, v2;
	_ =	sdelay $0x1  }
0x98: {  	[tilespmem:s28+$0x82C0] =	vst v1  }
0x99: {  	v1 =	vld [tilespmem:s25+$0x10];
	_ =	sdelay $0x1  }
0x9a: {  	v2 =	vld [tilespmem:s28+$0x82D0];
	_ =	sdelay $0x2  }
0x9b: {  	v1 =	vmul.f32 s31, v1;
	_ =	sdelay $0x1  }
0x9c: {  	v1 =	vadd.f32 v1, v2;
	_ =	sdelay $0x1  }
0x9d: {  	[tilespmem:s28+$0x82D0] =	vst v1  }
0x9e: {  	v1 =	vld [tilespmem:s25+$0x20];
	_ =	sdelay $0x1  }
0x9f: {  	v2 =	vld [tilespmem:s28+$0x82E0];
	_ =	sdelay $0x2  }
0xa0: {  	v1 =	vmul.f32 s31, v1;
	_ =	sdelay $0x1  }
0xa1: {  	v1 =	vadd.f32 v1, v2;
	_ =	sdelay $0x1  }
0xa2: {  	[tilespmem:s28+$0x82E0] =	vst v1  }
0xa3: {  	v1 =	vld [tilespmem:s25+$0x30];
	_ =	sdelay $0x1  }
0xa4: {  	v2 =	vld [tilespmem:s28+$0x82F0];
	_ =	sdelay $0x1  }
.Ltmp4:
0xa5: {  	(pc) =	sbr.rel @p0 .LBB2_5-.Ltmp4, $3  }
0xa6: {  	v1 =	vmul.f32 s31, v1;
	_ =	sdelay $0x1  }
0xa7: {  	v1 =	vadd.f32 v1, v2  }
0xa8: {  	s25 =	sadd.s32 $0x80, s25;
	s31 =	smov.u32 s30  }
0xa9: {  	s1 =	sshra.s32 s29, $0x2;
	[tilespmem:s28+$0x82F0] =	vst v1  }
0xaa: {  	v1 =	vld [tilespmem:s1+$0x100];
	_ =	sdelay $0x4  }
0xab: {  	(v2sf) =	vpush v1, $0x0;
	_ =	sdelay $0xe  }
0xac: {  	s31 =	spop (v2sf)  }
0xad: {  	s1 =	sadd.s32 s8, s31  }
0xae: {  	p0 =	sgt.s32 s1, $0x0  }
0xaf: {  	s1 =	simm.s32 @!p0 $0x0  }
0xb0: {  	v1 =	vld [tilespmem:s25+$0xFFFFFFC0];
	s1 =	smin.u32 s1, $0x138  }
0xb1: {  	s26 =	sadd.s32 $0x1, s26;
	s1 =	sshll.u32 s1, $0x7  }
0xb2: {  	s28 =	simm.f32 $1.000000000e+00;
	p0 =	slt.s32 s26, s19;
	v2 =	vld [tilespmem:s1+$0x8280]  }
0xb3: {  	p1 =	sge.s32 s26, s18;
	s28 =	simm.s32 @!p0 $0x0  }
0xb4: {  	s28 =	simm.s32 @!p1 $0x0  }
0xb5: {  	v1 =	vmul.f32 s28, v1;
	_ =	sdelay $0x1  }
0xb6: {  	v1 =	vadd.f32 v1, v2;
	_ =	sdelay $0x1  }
0xb7: {  	[tilespmem:s1+$0x8280] =	vst v1  }
0xb8: {  	v1 =	vld [tilespmem:s25+$0xFFFFFFD0];
	_ =	sdelay $0x1  }
0xb9: {  	v2 =	vld [tilespmem:s1+$0x8290];
	_ =	sdelay $0x2  }
0xba: {  	v1 =	vmul.f32 s28, v1;
	_ =	sdelay $0x1  }
0xbb: {  	v1 =	vadd.f32 v1, v2;
	_ =	sdelay $0x1  }
0xbc: {  	[tilespmem:s1+$0x8290] =	vst v1  }
0xbd: {  	v1 =	vld [tilespmem:s25+$0xFFFFFFE0];
	_ =	sdelay $0x1  }
0xbe: {  	v2 =	vld [tilespmem:s1+$0x82A0];
	_ =	sdelay $0x2  }
0xbf: {  	v1 =	vmul.f32 s28, v1;
	_ =	sdelay $0x1  }
0xc0: {  	v1 =	vadd.f32 v1, v2;
	_ =	sdelay $0x1  }
0xc1: {  	[tilespmem:s1+$0x82A0] =	vst v1  }
0xc2: {  	v1 =	vld [tilespmem:s25+$0xFFFFFFF0];
	_ =	sdelay $0x1  }
0xc3: {  	v2 =	vld [tilespmem:s1+$0x82B0];
	_ =	sdelay $0x2  }
0xc4: {  	v1 =	vmul.f32 s28, v1;
	_ =	sdelay $0x1  }
0xc5: {  	v1 =	vadd.f32 v1, v2;
	_ =	sdelay $0x1  }
0xc6: {  	[tilespmem:s1+$0x82B0] =	vst v1  }
0xc7: {  	v1 =	vld [tilespmem:s25+$0x0];
	_ =	sdelay $0x1  }
0xc8: {  	v2 =	vld [tilespmem:s1+$0x82C0];
	_ =	sdelay $0x2  }
0xc9: {  	v1 =	vmul.f32 s28, v1;
	_ =	sdelay $0x1  }
0xca: {  	v1 =	vadd.f32 v1, v2;
	_ =	sdelay $0x1  }
0xcb: {  	[tilespmem:s1+$0x82C0] =	vst v1  }
0xcc: {  	v1 =	vld [tilespmem:s25+$0x10];
	_ =	sdelay $0x1  }
0xcd: {  	v2 =	vld [tilespmem:s1+$0x82D0];
	_ =	sdelay $0x2  }
0xce: {  	v1 =	vmul.f32 s28, v1;
	_ =	sdelay $0x1  }
0xcf: {  	v1 =	vadd.f32 v1, v2;
	_ =	sdelay $0x1  }
0xd0: {  	[tilespmem:s1+$0x82D0] =	vst v1  }
0xd1: {  	v1 =	vld [tilespmem:s25+$0x20];
	_ =	sdelay $0x1  }
0xd2: {  	v2 =	vld [tilespmem:s1+$0x82E0];
	_ =	sdelay $0x2  }
0xd3: {  	v1 =	vmul.f32 s28, v1;
	_ =	sdelay $0x1  }
0xd4: {  	v1 =	vadd.f32 v1, v2;
	_ =	sdelay $0x1  }
0xd5: {  	[tilespmem:s1+$0x82E0] =	vst v1  }
0xd6: {  	v1 =	vld [tilespmem:s25+$0x30];
	_ =	sdelay $0x1  }
0xd7: {  	v2 =	vld [tilespmem:s1+$0x82F0]  }
0xd8: {  	s24 =	sadd.s32 $0x1, s24  }
0xd9: {  	p0 =	sne.s32 s24, s21  }
.Ltmp5:
0xda: {  	v1 =	vmul.f32 s28, v1;
	(pc) =	sbr.rel @p0 .LBB2_4-.Ltmp5, $4  }
.Ltmp6:
0xdb: {  	_ = 	snop;
	(pc) =	sbr.rel @!p0 .LBB2_7-.Ltmp6, $4  }
0xdc: {  	v1 =	vadd.f32 v1, v2  }
0xdd: {  	_ = 	snop  }
0xde: {  	s23 =	sadd.s32 $0x100, s23;
	[tilespmem:s1+$0x82F0] =	vst v1  }
0xdf: {  	_ = 	snop  }
.LBB2_8:
0xe0: {  	_ =	sfence.sel $0x180000  }
0xe1: {  	[bflag:$0x0] =	sbarrier.arrive $0xFFFF  }
0xe2: {  	_ =	strace $0x90000047  }
0xe3: {  	[bflag:$0x2] =	sbarrier.arrive $0xFFFF  }
0xe4: {  	p0 =	sne.s32 s3, $0x0;
	s0 =	rddreg [dreg:$0x5]  }
0xe5: {  	s0 =	sadd.s32 @!p0 $0x100000, s0  }
0xe6: {  	[sflag:s0] =	ssyncadd.tile.s32 @!p0 $0x1;
	_ =	shalt  }
.Lfunc_end2:
_tile_overlayer_lowered:
.L_overlay_start_2:
0xe7: {  	(tag) =	ssettag $0x2  }
0xe8: {  	s0 =	rddreg [dreg:$0x0];
	s2 =	stileid.u32  }
0xe9: {  	s1 =	rddreg [dreg:$0x1];
	p0 =	sne.s32 s2, $0x0  }
0xea: {  	s3 =	rddreg [dreg:$0x2];
	[bflag:$0x3] =	sbarrier.arrive $0xFFFF;
	s2 =	simm.s32 @!p0 $0x1C02  }
0xeb: {  	[timem:s3], [sflag:s2] =	dma.local @!p0 [hbm:s0], s1  }
0xec: {  	s0 =	simm.s32 @!p0 $0x2  }
0xed: {  	_ =	swait.ge @!p0 [sflag:s0], s1  }
0xee: {  	s1 =	ssub.s32 @!p0 $0x0, s1;
	[sflag:s0] =	ssyncset.done @!p0 $0x0  }
0xef: {  	[sflag:s0] =	ssyncadd.s32 @!p0 s1  }
0xf0: {  	[bflag:$0x3] =	sbarrier.arrive $0xFFFF  }
0xf1: {  	_ =	shalt  }

</sc_bundles>
